<compile_context>
chip_gen: v7x
topology: tpu7x:2x2x1
jax: 0.10.2.dev20260603
libtpu: 0.0.44.dev20260713+nightly
codegen_flags: <defaults>
</compile_context>

<pallas_src>
import functools

import jax
import jax.numpy as jnp
from jax import lax
from jax.experimental import pallas as pl
from jax.experimental.pallas import tpu as pltpu
from jax.experimental.pallas import tpu_sc as plsc

_N = 10000
_E = 320000
_IN = 128
_H1, _F1 = 8, 16
_HF = _H1 * _F1
_NC, _NS = 2, 16
_NW = _NC * _NS
_EPW = _E // _NW
_C = 80
_NCH = _EPW // _C
_NP = 10240
_RPT = _NP // _NS
_TB = 2048
_STW = 144
_f32 = jnp.float32
_i32 = jnp.int32

_mesh = plsc.VectorSubcoreMesh(core_axis_name="c", subcore_axis_name="s",
                               num_cores=_NC)
_sc_params = pltpu.CompilerParams(use_tc_tiling_on_sc=False,
                                  needs_layout_passes=False)


def _leaky(x):
    return jnp.maximum(x, 0.0) + 0.2 * jnp.minimum(x, 0.0)



def _tc1_body(x_ref, w_ref, al_ref, ar_ref, stab_ref, el_ref, er_ref):
    feat = lax.dot_general(x_ref[...], w_ref[...], (((1,), (0,)), ((), ())),
                           precision=lax.Precision.HIGHEST)
    el = lax.dot_general(feat, al_ref[...], (((1,), (0,)), ((), ())),
                         precision=lax.Precision.HIGHEST)
    er = lax.dot_general(feat, ar_ref[...], (((1,), (0,)), ((), ())),
                         precision=lax.Precision.HIGHEST)
    z8 = jnp.zeros((_TB, 8), _f32)
    stab_ref[...] = jnp.concatenate([feat, el, z8], axis=1)
    el_ref[...] = jnp.concatenate([el, z8], axis=1)
    er_ref[...] = jnp.concatenate([er, z8], axis=1)


_tc1 = pl.pallas_call(
    _tc1_body,
    grid=(_NP // _TB,),
    in_specs=[pl.BlockSpec((_TB, _IN), lambda i: (i, 0)),
              pl.BlockSpec((_IN, _HF), lambda i: (0, 0)),
              pl.BlockSpec((_HF, _H1), lambda i: (0, 0)),
              pl.BlockSpec((_HF, _H1), lambda i: (0, 0))],
    out_specs=[pl.BlockSpec((_TB, _STW), lambda i: (i, 0)),
               pl.BlockSpec((_TB, 16), lambda i: (i, 0)),
               pl.BlockSpec((_TB, 16), lambda i: (i, 0))],
    out_shape=[jax.ShapeDtypeStruct((_NP, _STW), _f32),
               jax.ShapeDtypeStruct((_NP, 16), _f32),
               jax.ShapeDtypeStruct((_NP, 16), _f32)],
)


def _tc2_body(h_ref, w_ref, al_ref, ar_ref, t2_ref):
    f2 = lax.dot_general(h_ref[...], w_ref[...], (((1,), (0,)), ((), ())),
                         precision=lax.Precision.HIGHEST)
    al = al_ref[0, 0]
    ar = ar_ref[0, 0]
    z5 = jnp.zeros((_TB, 5), _f32)
    t2_ref[...] = jnp.concatenate([f2 * al, f2 * ar, f2, z5], axis=1)


_tc2 = pl.pallas_call(
    _tc2_body,
    grid=(_NP // _TB,),
    in_specs=[pl.BlockSpec((_TB, _HF), lambda i: (i, 0)),
              pl.BlockSpec((_HF, 1), lambda i: (0, 0)),
              pl.BlockSpec((1, 1), lambda i: (0, 0)),
              pl.BlockSpec((1, 1), lambda i: (0, 0))],
    out_specs=pl.BlockSpec((_TB, 8), lambda i: (i, 0)),
    out_shape=jax.ShapeDtypeStruct((_NP, 8), _f32),
)



def _worker_prologue(src_hbm, dst_hbm, srcv, dstv):
    c = lax.axis_index("c")
    s = lax.axis_index("s")
    w = c * _NS + s
    pltpu.sync_copy(src_hbm.at[w], srcv)
    pltpu.sync_copy(dst_hbm.at[w], dstv)
    return c, s


def _p1_body(el_hbm, er_hbm, src_hbm, dst_hbm, z_hbm, den_hbm,
             srcv, dstv, elb, erb, exb, shden):
    c, s = _worker_prologue(src_hbm, dst_hbm, srcv, dstv)
    rows = pl.ds(s * _RPT, _RPT)
    pltpu.sync_copy(z_hbm.at[rows], shden.at[rows])
    plsc.subcore_barrier()

    @pl.loop(0, _NCH)
    def _chunk(j):
        pltpu.sync_copy(el_hbm.at[srcv.at[j]], elb)
        pltpu.sync_copy(er_hbm.at[dstv.at[j]], erb)

        @pl.loop(0, _C)
        def _edge(i):
            exb[i] = jnp.exp(_leaky(elb[i] + erb[i]))

        pltpu.sync_copy(exb, shden.at[dstv.at[j]], add=True)

    plsc.subcore_barrier()
    pltpu.sync_copy(shden.at[rows], den_hbm.at[c, rows])


_p1 = pl.kernel(
    _p1_body,
    out_type=jax.ShapeDtypeStruct((_NC, _NP, 16), _f32),
    mesh=_mesh,
    compiler_params=_sc_params,
    scratch_types=[
        pltpu.VMEM((_NCH, _C), _i32),
        pltpu.VMEM((_NCH, _C), _i32),
        pltpu.VMEM((_C, 16), _f32),
        pltpu.VMEM((_C, 16), _f32),
        pltpu.VMEM((_C, 16), _f32),
        pltpu.VMEM_SHARED((_NP, 16), _f32),
    ],
)


def _p2_body(stab_hbm, er_hbm, den_hbm, src_hbm, dst_hbm, z_hbm, out_hbm,
             srcv, dstv, stb, erb, dnb, msgb, shout):
    c, s = _worker_prologue(src_hbm, dst_hbm, srcv, dstv)
    rows = pl.ds(s * _RPT, _RPT)
    pltpu.sync_copy(z_hbm.at[rows], shout.at[rows])
    plsc.subcore_barrier()

    @pl.loop(0, _NCH)
    def _chunk(j):
        pltpu.sync_copy(stab_hbm.at[srcv.at[j]], stb)
        pltpu.sync_copy(er_hbm.at[dstv.at[j]], erb)
        pltpu.sync_copy(den_hbm.at[dstv.at[j]], dnb)

        @pl.loop(0, _C)
        def _edge(i):
            v = stb[i, pl.ds(_HF, 16)] + erb[i]
            ex = jnp.exp(_leaky(v))
            alpha = ex / (dnb[i] + 1e-9)
            for k in range(_H1):
                msgb[i, pl.ds(k * _F1, _F1)] = stb[i, pl.ds(k * _F1, _F1)] * alpha[k]

        pltpu.sync_copy(msgb, shout.at[dstv.at[j]], add=True)

    plsc.subcore_barrier()
    pltpu.sync_copy(shout.at[rows], out_hbm.at[c, rows])


_p2 = pl.kernel(
    _p2_body,
    out_type=jax.ShapeDtypeStruct((_NC, _NP, _HF), _f32),
    mesh=_mesh,
    compiler_params=_sc_params,
    scratch_types=[
        pltpu.VMEM((_NCH, _C), _i32),
        pltpu.VMEM((_NCH, _C), _i32),
        pltpu.VMEM((_C, _STW), _f32),
        pltpu.VMEM((_C, 16), _f32),
        pltpu.VMEM((_C, 16), _f32),
        pltpu.VMEM((_C, _HF), _f32),
        pltpu.VMEM_SHARED((_NP, _HF), _f32),
    ],
)


def _p3_body(t2_hbm, src_hbm, dst_hbm, z_hbm, den_hbm,
             srcv, dstv, t2v, msgb, shden):
    c, s = _worker_prologue(src_hbm, dst_hbm, srcv, dstv)
    pltpu.sync_copy(t2_hbm, t2v)
    rows = pl.ds(s * _RPT, _RPT)
    pltpu.sync_copy(z_hbm.at[rows], shden.at[rows])
    pltpu.sync_copy(z_hbm.at[pl.ds(0, _C)], msgb)
    plsc.subcore_barrier()

    iota = lax.iota(_i32, 16)
    c0 = jnp.zeros((16,), _i32)
    c1 = c0 + 1

    @pl.loop(0, _NCH)
    def _chunk(j):
        @pl.loop(0, _C // 16)
        def _vec(v):
            sidx = srcv[j, pl.ds(v * 16, 16)]
            didx = dstv[j, pl.ds(v * 16, 16)]
            elv = plsc.load_gather(t2v, [sidx, c0])
            erv = plsc.load_gather(t2v, [didx, c1])
            ex = jnp.exp(_leaky(elv + erv))
            plsc.store_scatter(msgb, [v * 16 + iota, c0], ex)

        pltpu.sync_copy(msgb, shden.at[dstv.at[j]], add=True)

    plsc.subcore_barrier()
    pltpu.sync_copy(shden.at[rows], den_hbm.at[c, rows])


_p3 = pl.kernel(
    _p3_body,
    out_type=jax.ShapeDtypeStruct((_NC, _NP, 16), _f32),
    mesh=_mesh,
    compiler_params=_sc_params,
    scratch_types=[
        pltpu.VMEM((_NCH, _C), _i32),
        pltpu.VMEM((_NCH, _C), _i32),
        pltpu.VMEM((_NP, 8), _f32),
        pltpu.VMEM((_C, 16), _f32),
        pltpu.VMEM_SHARED((_NP, 16), _f32),
    ],
)


def _p4_body(t2_hbm, d2_hbm, src_hbm, dst_hbm, z_hbm, out_hbm,
             srcv, dstv, t2v, d2v, msgb, shout):
    c, s = _worker_prologue(src_hbm, dst_hbm, srcv, dstv)
    pltpu.sync_copy(t2_hbm, t2v)
    pltpu.sync_copy(d2_hbm, d2v)
    rows = pl.ds(s * _RPT, _RPT)
    pltpu.sync_copy(z_hbm.at[rows], shout.at[rows])
    pltpu.sync_copy(z_hbm.at[pl.ds(0, _C)], msgb)
    plsc.subcore_barrier()

    iota = lax.iota(_i32, 16)
    c0 = jnp.zeros((16,), _i32)
    c1 = c0 + 1
    c2 = c0 + 2

    @pl.loop(0, _NCH)
    def _chunk(j):
        @pl.loop(0, _C // 16)
        def _vec(v):
            sidx = srcv[j, pl.ds(v * 16, 16)]
            didx = dstv[j, pl.ds(v * 16, 16)]
            elv = plsc.load_gather(t2v, [sidx, c0])
            erv = plsc.load_gather(t2v, [didx, c1])
            f2v = plsc.load_gather(t2v, [sidx, c2])
            dnv = plsc.load_gather(d2v, [didx])
            ex = jnp.exp(_leaky(elv + erv))
            val = f2v * ex / (dnv + 1e-9)
            plsc.store_scatter(msgb, [v * 16 + iota, c0], val)

        pltpu.sync_copy(msgb, shout.at[dstv.at[j]], add=True)

    plsc.subcore_barrier()
    pltpu.sync_copy(shout.at[rows], out_hbm.at[c, rows])


_p4 = pl.kernel(
    _p4_body,
    out_type=jax.ShapeDtypeStruct((_NC, _NP, 16), _f32),
    mesh=_mesh,
    compiler_params=_sc_params,
    scratch_types=[
        pltpu.VMEM((_NCH, _C), _i32),
        pltpu.VMEM((_NCH, _C), _i32),
        pltpu.VMEM((_NP, 8), _f32),
        pltpu.VMEM((_NP,), _f32),
        pltpu.VMEM((_C, 16), _f32),
        pltpu.VMEM_SHARED((_NP, 16), _f32),
    ],
)



@jax.jit
def kernel(inputs, edge_index, W1, attn_l1, attn_r1, bias1,
           W2, attn_l2, attn_r2, bias2):
    src = edge_index[0].reshape(_NW, _NCH, _C)
    dst = edge_index[1].reshape(_NW, _NCH, _C)

    eye = jnp.eye(_H1, dtype=_f32)
    AL = (attn_l1[:, :, None] * eye[:, None, :]).reshape(_HF, _H1)
    AR = (attn_r1[:, :, None] * eye[:, None, :]).reshape(_HF, _H1)

    z128 = jnp.zeros((_NP, _HF), _f32)
    z16 = jnp.zeros((_NP, 16), _f32)

    xp = jnp.pad(inputs, ((0, _NP - _N), (0, 0)))
    stab, eltab, ertab = _tc1(xp, W1, AL, AR)

    den = _p1(eltab, ertab, src, dst, z16)
    dden = den[0, :, :8] + den[1, :, :8]
    dentab = jnp.concatenate([dden, jnp.zeros((_NP, 8), _f32)], axis=1)

    out1 = _p2(stab, ertab, dentab, src, dst, z128)
    h = out1[0] + out1[1] + bias1[None, :]

    t2 = _tc2(h, W2, attn_l2, attn_r2)

    den2 = _p3(t2, src, dst, z16)
    d2 = den2[0, :, 0] + den2[1, :, 0]

    out2 = _p4(t2, d2, src, dst, z16)
    return out2[0, :_N, 0] + out2[1, :_N, 0] + bias2[0]

# --- scband reference (transcript-rebuilt; emitter-appended) ---
"""Pipeline reference for scband-gatregressor-78469052497932 (READ-ONLY COPY).

The authoritative reference and input builder live on the scoring server;
editing this copy changes nothing except your own understanding.
"""

import jax, jax.numpy as jnp
import numpy as np

N = 10000
E = 320000
IN = 128
H1, F1 = 8, 16
H2, F2 = 1, 1


def setup_inputs(seed: int = 0) -> dict:
    key = jax.random.key(seed)
    ks = jax.random.split(key, 10)
    inputs = jax.random.normal(ks[0], (N, IN), dtype=jnp.float32)
    edge_index = jax.random.randint(ks[1], (2, E), 0, N, dtype=jnp.int32)
    W1 = jax.random.normal(ks[2], (IN, H1 * F1), dtype=jnp.float32) * 0.1
    attn_l1 = jax.random.normal(ks[3], (H1, F1), dtype=jnp.float32) * 0.1
    attn_r1 = jax.random.normal(ks[4], (H1, F1), dtype=jnp.float32) * 0.1
    bias1 = jnp.zeros((H1 * F1,), dtype=jnp.float32)
    W2 = jax.random.normal(ks[5], (H1 * F1, H2 * F2), dtype=jnp.float32) * 0.1
    attn_l2 = jax.random.normal(ks[6], (H2, F2), dtype=jnp.float32) * 0.1
    attn_r2 = jax.random.normal(ks[7], (H2, F2), dtype=jnp.float32) * 0.1
    bias2 = jnp.zeros((H2 * F2,), dtype=jnp.float32)
    return {"inputs": inputs, "edge_index": edge_index, "W1": W1, "attn_l1": attn_l1,
            "attn_r1": attn_r1, "bias1": bias1, "W2": W2, "attn_l2": attn_l2,
            "attn_r2": attn_r2, "bias2": bias2}


def _gat_conv(x, src, dst, W, al, ar, b, H, F):
    # DGL GATConv, eval mode (feat_drop/attn_drop disabled), negative_slope=0.2
    feat = (x @ W).reshape(-1, H, F)                    # [N, H, F]
    el = jnp.sum(feat * al[None, :, :], axis=-1)        # [N, H]
    er = jnp.sum(feat * ar[None, :, :], axis=-1)        # [N, H]
    e = jax.nn.leaky_relu(el[src] + er[dst], 0.2)       # [E, H]
    m = jax.ops.segment_max(e, dst, num_segments=N)     # [N, H]
    m = jnp.where(jnp.isfinite(m), m, 0.0)
    ex = jnp.exp(e - m[dst])                            # [E, H]
    denom = jax.ops.segment_sum(ex, dst, num_segments=N)
    alpha = ex / (denom[dst] + 1e-9)                    # edge softmax over incoming edges
    msg = feat[src] * alpha[:, :, None]                 # [E, H, F]
    out = jax.ops.segment_sum(msg, dst, num_segments=N) # [N, H, F]
    return out + b.reshape(1, H, F)


def reference(inputs, edge_index, W1, attn_l1, attn_r1, bias1, W2, attn_l2, attn_r2, bias2):
    src = edge_index[0]
    dst = edge_index[1]
    h = _gat_conv(inputs, src, dst, W1, attn_l1, attn_r1, bias1, H1, F1)  # [N, 8, 16]
    h = h.reshape(N, -1)                                                  # [N, 128]
    h = _gat_conv(h, src, dst, W2, attn_l2, attn_r2, bias2, H2, F2)       # [N, 1, 1]
    return jnp.squeeze(h)                                                 # [N]

if __name__ == "__main__":
    import jax
    _d = setup_inputs()
    print(jax.jit(kernel)(*tuple(_d.values())))

</pallas_src>

<mosaic_0001>
#map = affine_map<(d0, d1) -> (0, 0)>
#map1 = affine_map<(d0, d1) -> (0, 0, 0)>
module attributes {stable_mosaic.version = 14 : i64} {
  func.func @_p2_body(%arg0: i32, %arg1: i32, %arg2: memref<10240x144xf32, #tpu.memory_space<hbm>>, %arg3: memref<10240x16xf32, #tpu.memory_space<hbm>>, %arg4: memref<10240x16xf32, #tpu.memory_space<hbm>>, %arg5: memref<32x125x80xi32, #tpu.memory_space<hbm>>, %arg6: memref<32x125x80xi32, #tpu.memory_space<hbm>>, %arg7: memref<10240x128xf32, #tpu.memory_space<hbm>>, %arg8: memref<2x10240x128xf32, #tpu.memory_space<hbm>>, %arg9: memref<125x80xi32, #tpu.memory_space<vmem>>, %arg10: memref<125x80xi32, #tpu.memory_space<vmem>>, %arg11: memref<80x144xf32, #tpu.memory_space<vmem>>, %arg12: memref<80x16xf32, #tpu.memory_space<vmem>>, %arg13: memref<80x16xf32, #tpu.memory_space<vmem>>, %arg14: memref<80x128xf32, #tpu.memory_space<vmem>>, %arg15: memref<10240x128xf32, #tpu.memory_space<vmem_shared>>) attributes {dimension_semantics = [#tpu.dimension_semantics<core_parallel>, #tpu.dimension_semantics<subcore_parallel>], iteration_bounds = array<i64: 2, 16>, scalar_prefetch = 0 : i64, scratch_operands = 7 : i64, tpu.core_type = #tpu.core_type<sc_vector_subcore>, window_params = [{transform_indices = #map}, {transform_indices = #map}, {transform_indices = #map}, {transform_indices = #map1}, {transform_indices = #map1}, {transform_indices = #map}, {transform_indices = #map1}]} {
    %mul3A = arith.constant 16 : i32
    %mul3A_0 = arith.muli %arg0, %mul3A : i32
    %add3A = arith.addi %mul3A_0, %arg1 : i32
    "tpu.region"() ({
      %run_scoped3A = tpu.sem_alloc : memref<!tpu.dma_semaphore, #tpu.memory_space<semaphore_mem>>
      %dma_start3A = arith.constant 0 : i32
      %dma_start3A_8 = arith.constant 0 : i32
      %dma_start3A_9 = tpu.memref_slice %arg5[%add3A, %dma_start3A, %dma_start3A_8] : memref<32x125x80xi32, #tpu.memory_space<hbm>> -> memref<1x125x80xi32, #tpu.memory_space<hbm>>
      %dma_start3A_10 = tpu.memref_squeeze %dma_start3A_9 : memref<1x125x80xi32, #tpu.memory_space<hbm>> -> memref<125x80xi32, #tpu.memory_space<hbm>>
      %dma_start3A_11 = arith.constant 0 : i32
      %dma_start3A_12 = arith.constant 0 : i32
      %dma_start3A_13 = tpu.memref_slice %arg5[%add3A, %dma_start3A_11, %dma_start3A_12] : memref<32x125x80xi32, #tpu.memory_space<hbm>> -> memref<1x125x80xi32, #tpu.memory_space<hbm>>
      %dma_start3A_14 = tpu.memref_squeeze %dma_start3A_13 : memref<1x125x80xi32, #tpu.memory_space<hbm>> -> memref<125x80xi32, #tpu.memory_space<hbm>>
      tpu.enqueue_dma source(%dma_start3A_14 : memref<125x80xi32, #tpu.memory_space<hbm>>) target(%arg9 : memref<125x80xi32, #tpu.memory_space<vmem>>) target_semaphore(%run_scoped3A : memref<!tpu.dma_semaphore, #tpu.memory_space<semaphore_mem>>)
      %dma_wait3A = arith.constant 0 : i32
      %dma_wait3A_15 = arith.constant 0 : i32
      %dma_wait3A_16 = tpu.memref_slice %arg5[%add3A, %dma_wait3A, %dma_wait3A_15] : memref<32x125x80xi32, #tpu.memory_space<hbm>> -> memref<1x125x80xi32, #tpu.memory_space<hbm>>
      %dma_wait3A_17 = tpu.memref_squeeze %dma_wait3A_16 : memref<1x125x80xi32, #tpu.memory_space<hbm>> -> memref<125x80xi32, #tpu.memory_space<hbm>>
      %dma_wait3A_18 = arith.constant 0 : i32
      %dma_wait3A_19 = arith.constant 0 : i32
      %dma_wait3A_20 = tpu.memref_slice %arg5[%add3A, %dma_wait3A_18, %dma_wait3A_19] : memref<32x125x80xi32, #tpu.memory_space<hbm>> -> memref<1x125x80xi32, #tpu.memory_space<hbm>>
      %dma_wait3A_21 = tpu.memref_squeeze %dma_wait3A_20 : memref<1x125x80xi32, #tpu.memory_space<hbm>> -> memref<125x80xi32, #tpu.memory_space<hbm>>
      tpu.wait_dma2 semaphore(%run_scoped3A : memref<!tpu.dma_semaphore, #tpu.memory_space<semaphore_mem>>) src(%dma_wait3A_21 : memref<125x80xi32, #tpu.memory_space<hbm>>) dst(%arg9 : memref<125x80xi32, #tpu.memory_space<vmem>>)
      tpu.yield
    }) : () -> ()
    "tpu.region"() ({
      %run_scoped3A = tpu.sem_alloc : memref<!tpu.dma_semaphore, #tpu.memory_space<semaphore_mem>>
      %dma_start3A = arith.constant 0 : i32
      %dma_start3A_8 = arith.constant 0 : i32
      %dma_start3A_9 = tpu.memref_slice %arg6[%add3A, %dma_start3A, %dma_start3A_8] : memref<32x125x80xi32, #tpu.memory_space<hbm>> -> memref<1x125x80xi32, #tpu.memory_space<hbm>>
      %dma_start3A_10 = tpu.memref_squeeze %dma_start3A_9 : memref<1x125x80xi32, #tpu.memory_space<hbm>> -> memref<125x80xi32, #tpu.memory_space<hbm>>
      %dma_start3A_11 = arith.constant 0 : i32
      %dma_start3A_12 = arith.constant 0 : i32
      %dma_start3A_13 = tpu.memref_slice %arg6[%add3A, %dma_start3A_11, %dma_start3A_12] : memref<32x125x80xi32, #tpu.memory_space<hbm>> -> memref<1x125x80xi32, #tpu.memory_space<hbm>>
      %dma_start3A_14 = tpu.memref_squeeze %dma_start3A_13 : memref<1x125x80xi32, #tpu.memory_space<hbm>> -> memref<125x80xi32, #tpu.memory_space<hbm>>
      tpu.enqueue_dma source(%dma_start3A_14 : memref<125x80xi32, #tpu.memory_space<hbm>>) target(%arg10 : memref<125x80xi32, #tpu.memory_space<vmem>>) target_semaphore(%run_scoped3A : memref<!tpu.dma_semaphore, #tpu.memory_space<semaphore_mem>>)
      %dma_wait3A = arith.constant 0 : i32
      %dma_wait3A_15 = arith.constant 0 : i32
      %dma_wait3A_16 = tpu.memref_slice %arg6[%add3A, %dma_wait3A, %dma_wait3A_15] : memref<32x125x80xi32, #tpu.memory_space<hbm>> -> memref<1x125x80xi32, #tpu.memory_space<hbm>>
      %dma_wait3A_17 = tpu.memref_squeeze %dma_wait3A_16 : memref<1x125x80xi32, #tpu.memory_space<hbm>> -> memref<125x80xi32, #tpu.memory_space<hbm>>
      %dma_wait3A_18 = arith.constant 0 : i32
      %dma_wait3A_19 = arith.constant 0 : i32
      %dma_wait3A_20 = tpu.memref_slice %arg6[%add3A, %dma_wait3A_18, %dma_wait3A_19] : memref<32x125x80xi32, #tpu.memory_space<hbm>> -> memref<1x125x80xi32, #tpu.memory_space<hbm>>
      %dma_wait3A_21 = tpu.memref_squeeze %dma_wait3A_20 : memref<1x125x80xi32, #tpu.memory_space<hbm>> -> memref<125x80xi32, #tpu.memory_space<hbm>>
      tpu.wait_dma2 semaphore(%run_scoped3A : memref<!tpu.dma_semaphore, #tpu.memory_space<semaphore_mem>>) src(%dma_wait3A_21 : memref<125x80xi32, #tpu.memory_space<hbm>>) dst(%arg10 : memref<125x80xi32, #tpu.memory_space<vmem>>)
      tpu.yield
    }) : () -> ()
    %mul3A_1 = arith.constant 640 : i32
    %mul3A_2 = arith.muli %arg1, %mul3A_1 : i32
    "tpu.region"() ({
      %run_scoped3A = tpu.sem_alloc : memref<!tpu.dma_semaphore, #tpu.memory_space<semaphore_mem>>
      %dma_start3A = arith.constant 0 : i32
      %dma_start3A_8 = tpu.memref_slice %arg15[%mul3A_2, %dma_start3A] : memref<10240x128xf32, #tpu.memory_space<vmem_shared>> -> memref<640x128xf32, #tpu.memory_space<vmem_shared>>
      %dma_start3A_9 = arith.constant 0 : i32
      %dma_start3A_10 = tpu.memref_slice %arg7[%mul3A_2, %dma_start3A_9] : memref<10240x128xf32, #tpu.memory_space<hbm>> -> memref<640x128xf32, #tpu.memory_space<hbm>>
      tpu.enqueue_dma source(%dma_start3A_10 : memref<640x128xf32, #tpu.memory_space<hbm>>) target(%dma_start3A_8 : memref<640x128xf32, #tpu.memory_space<vmem_shared>>) target_semaphore(%run_scoped3A : memref<!tpu.dma_semaphore, #tpu.memory_space<semaphore_mem>>)
      %dma_wait3A = arith.constant 0 : i32
      %dma_wait3A_11 = tpu.memref_slice %arg15[%mul3A_2, %dma_wait3A] : memref<10240x128xf32, #tpu.memory_space<vmem_shared>> -> memref<640x128xf32, #tpu.memory_space<vmem_shared>>
      %dma_wait3A_12 = arith.constant 0 : i32
      %dma_wait3A_13 = tpu.memref_slice %arg7[%mul3A_2, %dma_wait3A_12] : memref<10240x128xf32, #tpu.memory_space<hbm>> -> memref<640x128xf32, #tpu.memory_space<hbm>>
      tpu.wait_dma2 semaphore(%run_scoped3A : memref<!tpu.dma_semaphore, #tpu.memory_space<semaphore_mem>>) src(%dma_wait3A_13 : memref<640x128xf32, #tpu.memory_space<hbm>>) dst(%dma_wait3A_11 : memref<640x128xf32, #tpu.memory_space<vmem_shared>>)
      tpu.yield
    }) : () -> ()
    %barrier3A = arith.constant 0 : index
    tpu.barrier barrier_id(%barrier3A)
    %scan3A = arith.constant 0 : i32
    %scan3A_3 = arith.constant 125 : i32
    %scan3A_4 = arith.addi %scan3A, %scan3A_3 : i32
    %scan3A_5 = arith.constant 1 : i32
    scf.for %scan3A_8 = %scan3A to %scan3A_4 step %scan3A_5  : i32 {
      %mul3A_9 = arith.constant 1 : i32
      %mul3A_10 = arith.muli %scan3A_8, %mul3A_9 : i32
      %add3A_11 = arith.constant 0 : i32
      %add3A_12 = arith.addi %add3A_11, %mul3A_10 : i32
      "tpu.region"() ({
        %run_scoped3A = tpu.sem_alloc : memref<!tpu.dma_semaphore, #tpu.memory_space<semaphore_mem>>
        %dma_start3A = arith.constant 0 : i32
        %dma_start3A_18 = tpu.memref_slice %arg9[%add3A_12, %dma_start3A] : memref<125x80xi32, #tpu.memory_space<vmem>> -> memref<1x80xi32, #tpu.memory_space<vmem>>
        %dma_start3A_19 = tpu.memref_squeeze %dma_start3A_18 : memref<1x80xi32, #tpu.memory_space<vmem>> -> memref<80xi32, #tpu.memory_space<vmem>>
        %dma_start3A_20 = arith.constant 0 : i32
        %dma_start3A_21 = arith.constant 0 : i32
        %dma_start3A_22 = tpu.memref_slice %arg2[%dma_start3A_20, %dma_start3A_21] : memref<10240x144xf32, #tpu.memory_space<hbm>> -> memref<10240x144xf32, #tpu.memory_space<hbm>>
        tpu.enqueue_indirect_dma source(%dma_start3A_22 : memref<10240x144xf32, #tpu.memory_space<hbm>>) target(%arg11 : memref<80x144xf32, #tpu.memory_space<vmem>>) offsets(%dma_start3A_19 : memref<80xi32, #tpu.memory_space<vmem>>) semaphore(%run_scoped3A : memref<!tpu.dma_semaphore, #tpu.memory_space<semaphore_mem>>)
        %dma_wait3A = arith.constant 0 : i32
        %dma_wait3A_23 = tpu.memref_slice %arg9[%add3A_12, %dma_wait3A] : memref<125x80xi32, #tpu.memory_space<vmem>> -> memref<1x80xi32, #tpu.memory_space<vmem>>
        %dma_wait3A_24 = tpu.memref_squeeze %dma_wait3A_23 : memref<1x80xi32, #tpu.memory_space<vmem>> -> memref<80xi32, #tpu.memory_space<vmem>>
        %dma_wait3A_25 = arith.constant 0 : i32
        %dma_wait3A_26 = arith.constant 0 : i32
        %dma_wait3A_27 = tpu.memref_slice %arg2[%dma_wait3A_25, %dma_wait3A_26] : memref<10240x144xf32, #tpu.memory_space<hbm>> -> memref<10240x144xf32, #tpu.memory_space<hbm>>
        tpu.wait_indirect_dma semaphore(%run_scoped3A : memref<!tpu.dma_semaphore, #tpu.memory_space<semaphore_mem>>) src(%dma_wait3A_27 : memref<10240x144xf32, #tpu.memory_space<hbm>>) dst(%arg11 : memref<80x144xf32, #tpu.memory_space<vmem>>)
        tpu.yield
      }) : () -> ()
      "tpu.region"() ({
        %run_scoped3A = tpu.sem_alloc : memref<!tpu.dma_semaphore, #tpu.memory_space<semaphore_mem>>
        %dma_start3A = arith.constant 0 : i32
        %dma_start3A_18 = tpu.memref_slice %arg10[%add3A_12, %dma_start3A] : memref<125x80xi32, #tpu.memory_space<vmem>> -> memref<1x80xi32, #tpu.memory_space<vmem>>
        %dma_start3A_19 = tpu.memref_squeeze %dma_start3A_18 : memref<1x80xi32, #tpu.memory_space<vmem>> -> memref<80xi32, #tpu.memory_space<vmem>>
        %dma_start3A_20 = arith.constant 0 : i32
        %dma_start3A_21 = arith.constant 0 : i32
        %dma_start3A_22 = tpu.memref_slice %arg3[%dma_start3A_20, %dma_start3A_21] : memref<10240x16xf32, #tpu.memory_space<hbm>> -> memref<10240x16xf32, #tpu.memory_space<hbm>>
        tpu.enqueue_indirect_dma source(%dma_start3A_22 : memref<10240x16xf32, #tpu.memory_space<hbm>>) target(%arg12 : memref<80x16xf32, #tpu.memory_space<vmem>>) offsets(%dma_start3A_19 : memref<80xi32, #tpu.memory_space<vmem>>) semaphore(%run_scoped3A : memref<!tpu.dma_semaphore, #tpu.memory_space<semaphore_mem>>)
        %dma_wait3A = arith.constant 0 : i32
        %dma_wait3A_23 = tpu.memref_slice %arg10[%add3A_12, %dma_wait3A] : memref<125x80xi32, #tpu.memory_space<vmem>> -> memref<1x80xi32, #tpu.memory_space<vmem>>
        %dma_wait3A_24 = tpu.memref_squeeze %dma_wait3A_23 : memref<1x80xi32, #tpu.memory_space<vmem>> -> memref<80xi32, #tpu.memory_space<vmem>>
        %dma_wait3A_25 = arith.constant 0 : i32
        %dma_wait3A_26 = arith.constant 0 : i32
        %dma_wait3A_27 = tpu.memref_slice %arg3[%dma_wait3A_25, %dma_wait3A_26] : memref<10240x16xf32, #tpu.memory_space<hbm>> -> memref<10240x16xf32, #tpu.memory_space<hbm>>
        tpu.wait_indirect_dma semaphore(%run_scoped3A : memref<!tpu.dma_semaphore, #tpu.memory_space<semaphore_mem>>) src(%dma_wait3A_27 : memref<10240x16xf32, #tpu.memory_space<hbm>>) dst(%arg12 : memref<80x16xf32, #tpu.memory_space<vmem>>)
        tpu.yield
      }) : () -> ()
      "tpu.region"() ({
        %run_scoped3A = tpu.sem_alloc : memref<!tpu.dma_semaphore, #tpu.memory_space<semaphore_mem>>
        %dma_start3A = arith.constant 0 : i32
        %dma_start3A_18 = tpu.memref_slice %arg10[%add3A_12, %dma_start3A] : memref<125x80xi32, #tpu.memory_space<vmem>> -> memref<1x80xi32, #tpu.memory_space<vmem>>
        %dma_start3A_19 = tpu.memref_squeeze %dma_start3A_18 : memref<1x80xi32, #tpu.memory_space<vmem>> -> memref<80xi32, #tpu.memory_space<vmem>>
        %dma_start3A_20 = arith.constant 0 : i32
        %dma_start3A_21 = arith.constant 0 : i32
        %dma_start3A_22 = tpu.memref_slice %arg4[%dma_start3A_20, %dma_start3A_21] : memref<10240x16xf32, #tpu.memory_space<hbm>> -> memref<10240x16xf32, #tpu.memory_space<hbm>>
        tpu.enqueue_indirect_dma source(%dma_start3A_22 : memref<10240x16xf32, #tpu.memory_space<hbm>>) target(%arg13 : memref<80x16xf32, #tpu.memory_space<vmem>>) offsets(%dma_start3A_19 : memref<80xi32, #tpu.memory_space<vmem>>) semaphore(%run_scoped3A : memref<!tpu.dma_semaphore, #tpu.memory_space<semaphore_mem>>)
        %dma_wait3A = arith.constant 0 : i32
        %dma_wait3A_23 = tpu.memref_slice %arg10[%add3A_12, %dma_wait3A] : memref<125x80xi32, #tpu.memory_space<vmem>> -> memref<1x80xi32, #tpu.memory_space<vmem>>
        %dma_wait3A_24 = tpu.memref_squeeze %dma_wait3A_23 : memref<1x80xi32, #tpu.memory_space<vmem>> -> memref<80xi32, #tpu.memory_space<vmem>>
        %dma_wait3A_25 = arith.constant 0 : i32
        %dma_wait3A_26 = arith.constant 0 : i32
        %dma_wait3A_27 = tpu.memref_slice %arg4[%dma_wait3A_25, %dma_wait3A_26] : memref<10240x16xf32, #tpu.memory_space<hbm>> -> memref<10240x16xf32, #tpu.memory_space<hbm>>
        tpu.wait_indirect_dma semaphore(%run_scoped3A : memref<!tpu.dma_semaphore, #tpu.memory_space<semaphore_mem>>) src(%dma_wait3A_27 : memref<10240x16xf32, #tpu.memory_space<hbm>>) dst(%arg13 : memref<80x16xf32, #tpu.memory_space<vmem>>)
        tpu.yield
      }) : () -> ()
      %scan3A_13 = arith.constant 0 : i32
      %scan3A_14 = arith.constant 80 : i32
      %scan3A_15 = arith.addi %scan3A_13, %scan3A_14 : i32
      %scan3A_16 = arith.constant 1 : i32
      scf.for %scan3A_18 = %scan3A_13 to %scan3A_15 step %scan3A_16  : i32 {
        %mul3A_19 = arith.constant 1 : i32
        %mul3A_20 = arith.muli %scan3A_18, %mul3A_19 : i32
        %add3A_21 = arith.constant 0 : i32
        %add3A_22 = arith.addi %add3A_21, %mul3A_20 : i32
        %get3A = arith.index_cast %add3A_22 : i32 to index
        %get3A_23 = arith.constant 128 : index
        %get3A_24 = tpu.vector_load %arg11[%get3A, %get3A_23] {strides = array<i32>} : memref<80x144xf32, #tpu.memory_space<vmem>>, vector<16xf32>,
        %get3A_25 = arith.index_cast %add3A_22 : i32 to index
        %get3A_26 = arith.constant 0 : index
        %get3A_27 = tpu.vector_load %arg12[%get3A_25, %get3A_26] {strides = array<i32>} : memref<80x16xf32, #tpu.memory_space<vmem>>, vector<16xf32>,
        %add3A_28 = arith.addf %get3A_24, %get3A_27 : vector<16xf32>
        %max3A = arith.constant 0.000000e+00 : f32
        %max3A_29 = vector.broadcast %max3A : f32 to vector<16xf32>
        %max3A_30 = arith.maximumf %add3A_28, %max3A_29 : vector<16xf32>
        %min3A = arith.constant 0.000000e+00 : f32
        %min3A_31 = vector.broadcast %min3A : f32 to vector<16xf32>
        %min3A_32 = arith.minimumf %add3A_28, %min3A_31 : vector<16xf32>
        %mul3A_33 = arith.constant 2.000000e-01 : f32
        %mul3A_34 = vector.broadcast %mul3A_33 : f32 to vector<16xf32>
        %mul3A_35 = arith.mulf %mul3A_34, %min3A_32 : vector<16xf32>
        %add3A_36 = arith.addf %max3A_30, %mul3A_35 : vector<16xf32>
        %exp3A = math.exp %add3A_36 : vector<16xf32>
        %get3A_37 = arith.index_cast %add3A_22 : i32 to index
        %get3A_38 = arith.constant 0 : index
        %get3A_39 = tpu.vector_load %arg13[%get3A_37, %get3A_38] {strides = array<i32>} : memref<80x16xf32, #tpu.memory_space<vmem>>, vector<16xf32>,
        %add3A_40 = arith.constant 9.99999971E-10 : f32
        %add3A_41 = vector.broadcast %add3A_40 : f32 to vector<16xf32>
        %add3A_42 = arith.addf %get3A_39, %add3A_41 : vector<16xf32>
        %div3A = arith.divf %exp3A, %add3A_42 : vector<16xf32>
        %get3A_43 = arith.index_cast %add3A_22 : i32 to index
        %get3A_44 = arith.constant 0 : index
        %get3A_45 = tpu.vector_load %arg11[%get3A_43, %get3A_44] {strides = array<i32>} : memref<80x144xf32, #tpu.memory_space<vmem>>, vector<16xf32>,
        %slice3A = vector.extract_strided_slice %div3A {offsets = [0], sizes = [1], strides = [1]} : vector<16xf32> to vector<1xf32>
        %squeeze3A = vector.extract %slice3A[0] : f32 from vector<1xf32>
        %mul3A_46 = vector.broadcast %squeeze3A : f32 to vector<16xf32>
        %mul3A_47 = arith.mulf %get3A_45, %mul3A_46 : vector<16xf32>
        %swap3A = arith.index_cast %add3A_22 : i32 to index
        %swap3A_48 = arith.constant 0 : index
        %swap3A_49 = tpu.vector_load %arg14[%swap3A, %swap3A_48] {strides = array<i32>} : memref<80x128xf32, #tpu.memory_space<vmem>>, vector<16xf32>,
        tpu.vector_store %arg14[%swap3A, %swap3A_48], %mul3A_47 {strides = array<i32>} : memref<80x128xf32, #tpu.memory_space<vmem>>, vector<16xf32>,
        %get3A_50 = arith.index_cast %add3A_22 : i32 to index
        %get3A_51 = arith.constant 16 : index
        %get3A_52 = tpu.vector_load %arg11[%get3A_50, %get3A_51] {strides = array<i32>} : memref<80x144xf32, #tpu.memory_space<vmem>>, vector<16xf32>,
        %slice3A_53 = vector.extract_strided_slice %div3A {offsets = [1], sizes = [1], strides = [1]} : vector<16xf32> to vector<1xf32>
        %squeeze3A_54 = vector.extract %slice3A_53[0] : f32 from vector<1xf32>
        %mul3A_55 = vector.broadcast %squeeze3A_54 : f32 to vector<16xf32>
        %mul3A_56 = arith.mulf %get3A_52, %mul3A_55 : vector<16xf32>
        %swap3A_57 = arith.index_cast %add3A_22 : i32 to index
        %swap3A_58 = arith.constant 16 : index
        %swap3A_59 = tpu.vector_load %arg14[%swap3A_57, %swap3A_58] {strides = array<i32>} : memref<80x128xf32, #tpu.memory_space<vmem>>, vector<16xf32>,
        tpu.vector_store %arg14[%swap3A_57, %swap3A_58], %mul3A_56 {strides = array<i32>} : memref<80x128xf32, #tpu.memory_space<vmem>>, vector<16xf32>,
        %get3A_60 = arith.index_cast %add3A_22 : i32 to index
        %get3A_61 = arith.constant 32 : index
        %get3A_62 = tpu.vector_load %arg11[%get3A_60, %get3A_61] {strides = array<i32>} : memref<80x144xf32, #tpu.memory_space<vmem>>, vector<16xf32>,
        %slice3A_63 = vector.extract_strided_slice %div3A {offsets = [2], sizes = [1], strides = [1]} : vector<16xf32> to vector<1xf32>
        %squeeze3A_64 = vector.extract %slice3A_63[0] : f32 from vector<1xf32>
        %mul3A_65 = vector.broadcast %squeeze3A_64 : f32 to vector<16xf32>
        %mul3A_66 = arith.mulf %get3A_62, %mul3A_65 : vector<16xf32>
        %swap3A_67 = arith.index_cast %add3A_22 : i32 to index
        %swap3A_68 = arith.constant 32 : index
        %swap3A_69 = tpu.vector_load %arg14[%swap3A_67, %swap3A_68] {strides = array<i32>} : memref<80x128xf32, #tpu.memory_space<vmem>>, vector<16xf32>,
        tpu.vector_store %arg14[%swap3A_67, %swap3A_68], %mul3A_66 {strides = array<i32>} : memref<80x128xf32, #tpu.memory_space<vmem>>, vector<16xf32>,
        %get3A_70 = arith.index_cast %add3A_22 : i32 to index
        %get3A_71 = arith.constant 48 : index
        %get3A_72 = tpu.vector_load %arg11[%get3A_70, %get3A_71] {strides = array<i32>} : memref<80x144xf32, #tpu.memory_space<vmem>>, vector<16xf32>,
        %slice3A_73 = vector.extract_strided_slice %div3A {offsets = [3], sizes = [1], strides = [1]} : vector<16xf32> to vector<1xf32>
        %squeeze3A_74 = vector.extract %slice3A_73[0] : f32 from vector<1xf32>
        %mul3A_75 = vector.broadcast %squeeze3A_74 : f32 to vector<16xf32>
        %mul3A_76 = arith.mulf %get3A_72, %mul3A_75 : vector<16xf32>
        %swap3A_77 = arith.index_cast %add3A_22 : i32 to index
        %swap3A_78 = arith.constant 48 : index
        %swap3A_79 = tpu.vector_load %arg14[%swap3A_77, %swap3A_78] {strides = array<i32>} : memref<80x128xf32, #tpu.memory_space<vmem>>, vector<16xf32>,
        tpu.vector_store %arg14[%swap3A_77, %swap3A_78], %mul3A_76 {strides = array<i32>} : memref<80x128xf32, #tpu.memory_space<vmem>>, vector<16xf32>,
        %get3A_80 = arith.index_cast %add3A_22 : i32 to index
        %get3A_81 = arith.constant 64 : index
        %get3A_82 = tpu.vector_load %arg11[%get3A_80, %get3A_81] {strides = array<i32>} : memref<80x144xf32, #tpu.memory_space<vmem>>, vector<16xf32>,
        %slice3A_83 = vector.extract_strided_slice %div3A {offsets = [4], sizes = [1], strides = [1]} : vector<16xf32> to vector<1xf32>
        %squeeze3A_84 = vector.extract %slice3A_83[0] : f32 from vector<1xf32>
        %mul3A_85 = vector.broadcast %squeeze3A_84 : f32 to vector<16xf32>
        %mul3A_86 = arith.mulf %get3A_82, %mul3A_85 : vector<16xf32>
        %swap3A_87 = arith.index_cast %add3A_22 : i32 to index
        %swap3A_88 = arith.constant 64 : index
        %swap3A_89 = tpu.vector_load %arg14[%swap3A_87, %swap3A_88] {strides = array<i32>} : memref<80x128xf32, #tpu.memory_space<vmem>>, vector<16xf32>,
        tpu.vector_store %arg14[%swap3A_87, %swap3A_88], %mul3A_86 {strides = array<i32>} : memref<80x128xf32, #tpu.memory_space<vmem>>, vector<16xf32>,
        %get3A_90 = arith.index_cast %add3A_22 : i32 to index
        %get3A_91 = arith.constant 80 : index
        %get3A_92 = tpu.vector_load %arg11[%get3A_90, %get3A_91] {strides = array<i32>} : memref<80x144xf32, #tpu.memory_space<vmem>>, vector<16xf32>,
        %slice3A_93 = vector.extract_strided_slice %div3A {offsets = [5], sizes = [1], strides = [1]} : vector<16xf32> to vector<1xf32>
        %squeeze3A_94 = vector.extract %slice3A_93[0] : f32 from vector<1xf32>
        %mul3A_95 = vector.broadcast %squeeze3A_94 : f32 to vector<16xf32>
        %mul3A_96 = arith.mulf %get3A_92, %mul3A_95 : vector<16xf32>
        %swap3A_97 = arith.index_cast %add3A_22 : i32 to index
        %swap3A_98 = arith.constant 80 : index
        %swap3A_99 = tpu.vector_load %arg14[%swap3A_97, %swap3A_98] {strides = array<i32>} : memref<80x128xf32, #tpu.memory_space<vmem>>, vector<16xf32>,
        tpu.vector_store %arg14[%swap3A_97, %swap3A_98], %mul3A_96 {strides = array<i32>} : memref<80x128xf32, #tpu.memory_space<vmem>>, vector<16xf32>,
        %get3A_100 = arith.index_cast %add3A_22 : i32 to index
        %get3A_101 = arith.constant 96 : index
        %get3A_102 = tpu.vector_load %arg11[%get3A_100, %get3A_101] {strides = array<i32>} : memref<80x144xf32, #tpu.memory_space<vmem>>, vector<16xf32>,
        %slice3A_103 = vector.extract_strided_slice %div3A {offsets = [6], sizes = [1], strides = [1]} : vector<16xf32> to vector<1xf32>
        %squeeze3A_104 = vector.extract %slice3A_103[0] : f32 from vector<1xf32>
        %mul3A_105 = vector.broadcast %squeeze3A_104 : f32 to vector<16xf32>
        %mul3A_106 = arith.mulf %get3A_102, %mul3A_105 : vector<16xf32>
        %swap3A_107 = arith.index_cast %add3A_22 : i32 to index
        %swap3A_108 = arith.constant 96 : index
        %swap3A_109 = tpu.vector_load %arg14[%swap3A_107, %swap3A_108] {strides = array<i32>} : memref<80x128xf32, #tpu.memory_space<vmem>>, vector<16xf32>,
        tpu.vector_store %arg14[%swap3A_107, %swap3A_108], %mul3A_106 {strides = array<i32>} : memref<80x128xf32, #tpu.memory_space<vmem>>, vector<16xf32>,
        %get3A_110 = arith.index_cast %add3A_22 : i32 to index
        %get3A_111 = arith.constant 112 : index
        %get3A_112 = tpu.vector_load %arg11[%get3A_110, %get3A_111] {strides = array<i32>} : memref<80x144xf32, #tpu.memory_space<vmem>>, vector<16xf32>,
        %slice3A_113 = vector.extract_strided_slice %div3A {offsets = [7], sizes = [1], strides = [1]} : vector<16xf32> to vector<1xf32>
        %squeeze3A_114 = vector.extract %slice3A_113[0] : f32 from vector<1xf32>
        %mul3A_115 = vector.broadcast %squeeze3A_114 : f32 to vector<16xf32>
        %mul3A_116 = arith.mulf %get3A_112, %mul3A_115 : vector<16xf32>
        %swap3A_117 = arith.index_cast %add3A_22 : i32 to index
        %swap3A_118 = arith.constant 112 : index
        %swap3A_119 = tpu.vector_load %arg14[%swap3A_117, %swap3A_118] {strides = array<i32>} : memref<80x128xf32, #tpu.memory_space<vmem>>, vector<16xf32>,
        tpu.vector_store %arg14[%swap3A_117, %swap3A_118], %mul3A_116 {strides = array<i32>} : memref<80x128xf32, #tpu.memory_space<vmem>>, vector<16xf32>,
      }
      %scan3A_17 = arith.constant 80 : i32
      "tpu.region"() ({
        %run_scoped3A = tpu.sem_alloc : memref<!tpu.dma_semaphore, #tpu.memory_space<semaphore_mem>>
        %dma_start3A = arith.constant 0 : i32
        %dma_start3A_18 = tpu.memref_slice %arg10[%add3A_12, %dma_start3A] : memref<125x80xi32, #tpu.memory_space<vmem>> -> memref<1x80xi32, #tpu.memory_space<vmem>>
        %dma_start3A_19 = tpu.memref_squeeze %dma_start3A_18 : memref<1x80xi32, #tpu.memory_space<vmem>> -> memref<80xi32, #tpu.memory_space<vmem>>
        %dma_start3A_20 = arith.constant 0 : i32
        %dma_start3A_21 = arith.constant 0 : i32
        %dma_start3A_22 = tpu.memref_slice %arg15[%dma_start3A_20, %dma_start3A_21] : memref<10240x128xf32, #tpu.memory_space<vmem_shared>> -> memref<10240x128xf32, #tpu.memory_space<vmem_shared>>
        tpu.enqueue_indirect_dma source(%arg14 : memref<80x128xf32, #tpu.memory_space<vmem>>) target(%dma_start3A_22 : memref<10240x128xf32, #tpu.memory_space<vmem_shared>>) offsets(%dma_start3A_19 : memref<80xi32, #tpu.memory_space<vmem>>) semaphore(%run_scoped3A : memref<!tpu.dma_semaphore, #tpu.memory_space<semaphore_mem>>) {add = true}
        %dma_wait3A = arith.constant 0 : i32
        %dma_wait3A_23 = tpu.memref_slice %arg10[%add3A_12, %dma_wait3A] : memref<125x80xi32, #tpu.memory_space<vmem>> -> memref<1x80xi32, #tpu.memory_space<vmem>>
        %dma_wait3A_24 = tpu.memref_squeeze %dma_wait3A_23 : memref<1x80xi32, #tpu.memory_space<vmem>> -> memref<80xi32, #tpu.memory_space<vmem>>
        %dma_wait3A_25 = arith.constant 0 : i32
        %dma_wait3A_26 = arith.constant 0 : i32
        %dma_wait3A_27 = tpu.memref_slice %arg15[%dma_wait3A_25, %dma_wait3A_26] : memref<10240x128xf32, #tpu.memory_space<vmem_shared>> -> memref<10240x128xf32, #tpu.memory_space<vmem_shared>>
        tpu.wait_indirect_dma semaphore(%run_scoped3A : memref<!tpu.dma_semaphore, #tpu.memory_space<semaphore_mem>>) src(%arg14 : memref<80x128xf32, #tpu.memory_space<vmem>>) dst(%dma_wait3A_27 : memref<10240x128xf32, #tpu.memory_space<vmem_shared>>)
        tpu.yield
      }) : () -> ()
    }
    %scan3A_6 = arith.constant 125 : i32
    %barrier3A_7 = arith.constant 0 : index
    tpu.barrier barrier_id(%barrier3A_7)
    "tpu.region"() ({
      %run_scoped3A = tpu.sem_alloc : memref<!tpu.dma_semaphore, #tpu.memory_space<semaphore_mem>>
      %dma_start3A = arith.constant 0 : i32
      %dma_start3A_8 = tpu.memref_slice %arg8[%arg0, %mul3A_2, %dma_start3A] : memref<2x10240x128xf32, #tpu.memory_space<hbm>> -> memref<1x640x128xf32, #tpu.memory_space<hbm>>
      %dma_start3A_9 = tpu.memref_squeeze %dma_start3A_8 : memref<1x640x128xf32, #tpu.memory_space<hbm>> -> memref<640x128xf32, #tpu.memory_space<hbm>>
      %dma_start3A_10 = arith.constant 0 : i32
      %dma_start3A_11 = tpu.memref_slice %arg15[%mul3A_2, %dma_start3A_10] : memref<10240x128xf32, #tpu.memory_space<vmem_shared>> -> memref<640x128xf32, #tpu.memory_space<vmem_shared>>
      tpu.enqueue_dma source(%dma_start3A_11 : memref<640x128xf32, #tpu.memory_space<vmem_shared>>) target(%dma_start3A_9 : memref<640x128xf32, #tpu.memory_space<hbm>>) target_semaphore(%run_scoped3A : memref<!tpu.dma_semaphore, #tpu.memory_space<semaphore_mem>>)
      %dma_wait3A = arith.constant 0 : i32
      %dma_wait3A_12 = tpu.memref_slice %arg8[%arg0, %mul3A_2, %dma_wait3A] : memref<2x10240x128xf32, #tpu.memory_space<hbm>> -> memref<1x640x128xf32, #tpu.memory_space<hbm>>
      %dma_wait3A_13 = tpu.memref_squeeze %dma_wait3A_12 : memref<1x640x128xf32, #tpu.memory_space<hbm>> -> memref<640x128xf32, #tpu.memory_space<hbm>>
      %dma_wait3A_14 = arith.constant 0 : i32
      %dma_wait3A_15 = tpu.memref_slice %arg15[%mul3A_2, %dma_wait3A_14] : memref<10240x128xf32, #tpu.memory_space<vmem_shared>> -> memref<640x128xf32, #tpu.memory_space<vmem_shared>>
      tpu.wait_dma2 semaphore(%run_scoped3A : memref<!tpu.dma_semaphore, #tpu.memory_space<semaphore_mem>>) src(%dma_wait3A_15 : memref<640x128xf32, #tpu.memory_space<vmem_shared>>) dst(%dma_wait3A_13 : memref<640x128xf32, #tpu.memory_space<hbm>>)
      tpu.yield
    }) : () -> ()
    return
  }
}

#map = affine_map<(d0, d1) -> (0, 0)>
#map1 = affine_map<(d0, d1) -> (0, 0, 0)>
module attributes {stable_mosaic.version = 14 : i64} {
  func.func @_p1_body(%arg0: i32, %arg1: i32, %arg2: memref<10240x16xf32, #tpu.memory_space<hbm>>, %arg3: memref<10240x16xf32, #tpu.memory_space<hbm>>, %arg4: memref<32x125x80xi32, #tpu.memory_space<hbm>>, %arg5: memref<32x125x80xi32, #tpu.memory_space<hbm>>, %arg6: memref<10240x16xf32, #tpu.memory_space<hbm>>, %arg7: memref<2x10240x16xf32, #tpu.memory_space<hbm>>, %arg8: memref<125x80xi32, #tpu.memory_space<vmem>>, %arg9: memref<125x80xi32, #tpu.memory_space<vmem>>, %arg10: memref<80x16xf32, #tpu.memory_space<vmem>>, %arg11: memref<80x16xf32, #tpu.memory_space<vmem>>, %arg12: memref<80x16xf32, #tpu.memory_space<vmem>>, %arg13: memref<10240x16xf32, #tpu.memory_space<vmem_shared>>) attributes {dimension_semantics = [#tpu.dimension_semantics<core_parallel>, #tpu.dimension_semantics<subcore_parallel>], iteration_bounds = array<i64: 2, 16>, scalar_prefetch = 0 : i64, scratch_operands = 6 : i64, tpu.core_type = #tpu.core_type<sc_vector_subcore>, window_params = [{transform_indices = #map}, {transform_indices = #map}, {transform_indices = #map1}, {transform_indices = #map1}, {transform_indices = #map}, {transform_indices = #map1}]} {
    %mul3A = arith.constant 16 : i32
    %mul3A_0 = arith.muli %arg0, %mul3A : i32
    %add3A = arith.addi %mul3A_0, %arg1 : i32
    "tpu.region"() ({
      %run_scoped3A = tpu.sem_alloc : memref<!tpu.dma_semaphore, #tpu.memory_space<semaphore_mem>>
      %dma_start3A = arith.constant 0 : i32
      %dma_start3A_8 = arith.constant 0 : i32
      %dma_start3A_9 = tpu.memref_slice %arg4[%add3A, %dma_start3A, %dma_start3A_8] : memref<32x125x80xi32, #tpu.memory_space<hbm>> -> memref<1x125x80xi32, #tpu.memory_space<hbm>>
      %dma_start3A_10 = tpu.memref_squeeze %dma_start3A_9 : memref<1x125x80xi32, #tpu.memory_space<hbm>> -> memref<125x80xi32, #tpu.memory_space<hbm>>
      %dma_start3A_11 = arith.constant 0 : i32
      %dma_start3A_12 = arith.constant 0 : i32
      %dma_start3A_13 = tpu.memref_slice %arg4[%add3A, %dma_start3A_11, %dma_start3A_12] : memref<32x125x80xi32, #tpu.memory_space<hbm>> -> memref<1x125x80xi32, #tpu.memory_space<hbm>>
      %dma_start3A_14 = tpu.memref_squeeze %dma_start3A_13 : memref<1x125x80xi32, #tpu.memory_space<hbm>> -> memref<125x80xi32, #tpu.memory_space<hbm>>
      tpu.enqueue_dma source(%dma_start3A_14 : memref<125x80xi32, #tpu.memory_space<hbm>>) target(%arg8 : memref<125x80xi32, #tpu.memory_space<vmem>>) target_semaphore(%run_scoped3A : memref<!tpu.dma_semaphore, #tpu.memory_space<semaphore_mem>>)
      %dma_wait3A = arith.constant 0 : i32
      %dma_wait3A_15 = arith.constant 0 : i32
      %dma_wait3A_16 = tpu.memref_slice %arg4[%add3A, %dma_wait3A, %dma_wait3A_15] : memref<32x125x80xi32, #tpu.memory_space<hbm>> -> memref<1x125x80xi32, #tpu.memory_space<hbm>>
      %dma_wait3A_17 = tpu.memref_squeeze %dma_wait3A_16 : memref<1x125x80xi32, #tpu.memory_space<hbm>> -> memref<125x80xi32, #tpu.memory_space<hbm>>
      %dma_wait3A_18 = arith.constant 0 : i32
      %dma_wait3A_19 = arith.constant 0 : i32
      %dma_wait3A_20 = tpu.memref_slice %arg4[%add3A, %dma_wait3A_18, %dma_wait3A_19] : memref<32x125x80xi32, #tpu.memory_space<hbm>> -> memref<1x125x80xi32, #tpu.memory_space<hbm>>
      %dma_wait3A_21 = tpu.memref_squeeze %dma_wait3A_20 : memref<1x125x80xi32, #tpu.memory_space<hbm>> -> memref<125x80xi32, #tpu.memory_space<hbm>>
      tpu.wait_dma2 semaphore(%run_scoped3A : memref<!tpu.dma_semaphore, #tpu.memory_space<semaphore_mem>>) src(%dma_wait3A_21 : memref<125x80xi32, #tpu.memory_space<hbm>>) dst(%arg8 : memref<125x80xi32, #tpu.memory_space<vmem>>)
      tpu.yield
    }) : () -> ()
    "tpu.region"() ({
      %run_scoped3A = tpu.sem_alloc : memref<!tpu.dma_semaphore, #tpu.memory_space<semaphore_mem>>
      %dma_start3A = arith.constant 0 : i32
      %dma_start3A_8 = arith.constant 0 : i32
      %dma_start3A_9 = tpu.memref_slice %arg5[%add3A, %dma_start3A, %dma_start3A_8] : memref<32x125x80xi32, #tpu.memory_space<hbm>> -> memref<1x125x80xi32, #tpu.memory_space<hbm>>
      %dma_start3A_10 = tpu.memref_squeeze %dma_start3A_9 : memref<1x125x80xi32, #tpu.memory_space<hbm>> -> memref<125x80xi32, #tpu.memory_space<hbm>>
      %dma_start3A_11 = arith.constant 0 : i32
      %dma_start3A_12 = arith.constant 0 : i32
      %dma_start3A_13 = tpu.memref_slice %arg5[%add3A, %dma_start3A_11, %dma_start3A_12] : memref<32x125x80xi32, #tpu.memory_space<hbm>> -> memref<1x125x80xi32, #tpu.memory_space<hbm>>
      %dma_start3A_14 = tpu.memref_squeeze %dma_start3A_13 : memref<1x125x80xi32, #tpu.memory_space<hbm>> -> memref<125x80xi32, #tpu.memory_space<hbm>>
      tpu.enqueue_dma source(%dma_start3A_14 : memref<125x80xi32, #tpu.memory_space<hbm>>) target(%arg9 : memref<125x80xi32, #tpu.memory_space<vmem>>) target_semaphore(%run_scoped3A : memref<!tpu.dma_semaphore, #tpu.memory_space<semaphore_mem>>)
      %dma_wait3A = arith.constant 0 : i32
      %dma_wait3A_15 = arith.constant 0 : i32
      %dma_wait3A_16 = tpu.memref_slice %arg5[%add3A, %dma_wait3A, %dma_wait3A_15] : memref<32x125x80xi32, #tpu.memory_space<hbm>> -> memref<1x125x80xi32, #tpu.memory_space<hbm>>
      %dma_wait3A_17 = tpu.memref_squeeze %dma_wait3A_16 : memref<1x125x80xi32, #tpu.memory_space<hbm>> -> memref<125x80xi32, #tpu.memory_space<hbm>>
      %dma_wait3A_18 = arith.constant 0 : i32
      %dma_wait3A_19 = arith.constant 0 : i32
      %dma_wait3A_20 = tpu.memref_slice %arg5[%add3A, %dma_wait3A_18, %dma_wait3A_19] : memref<32x125x80xi32, #tpu.memory_space<hbm>> -> memref<1x125x80xi32, #tpu.memory_space<hbm>>
      %dma_wait3A_21 = tpu.memref_squeeze %dma_wait3A_20 : memref<1x125x80xi32, #tpu.memory_space<hbm>> -> memref<125x80xi32, #tpu.memory_space<hbm>>
      tpu.wait_dma2 semaphore(%run_scoped3A : memref<!tpu.dma_semaphore, #tpu.memory_space<semaphore_mem>>) src(%dma_wait3A_21 : memref<125x80xi32, #tpu.memory_space<hbm>>) dst(%arg9 : memref<125x80xi32, #tpu.memory_space<vmem>>)
      tpu.yield
    }) : () -> ()
    %mul3A_1 = arith.constant 640 : i32
    %mul3A_2 = arith.muli %arg1, %mul3A_1 : i32
    "tpu.region"() ({
      %run_scoped3A = tpu.sem_alloc : memref<!tpu.dma_semaphore, #tpu.memory_space<semaphore_mem>>
      %dma_start3A = arith.constant 0 : i32
      %dma_start3A_8 = tpu.memref_slice %arg13[%mul3A_2, %dma_start3A] : memref<10240x16xf32, #tpu.memory_space<vmem_shared>> -> memref<640x16xf32, #tpu.memory_space<vmem_shared>>
      %dma_start3A_9 = arith.constant 0 : i32
      %dma_start3A_10 = tpu.memref_slice %arg6[%mul3A_2, %dma_start3A_9] : memref<10240x16xf32, #tpu.memory_space<hbm>> -> memref<640x16xf32, #tpu.memory_space<hbm>>
      tpu.enqueue_dma source(%dma_start3A_10 : memref<640x16xf32, #tpu.memory_space<hbm>>) target(%dma_start3A_8 : memref<640x16xf32, #tpu.memory_space<vmem_shared>>) target_semaphore(%run_scoped3A : memref<!tpu.dma_semaphore, #tpu.memory_space<semaphore_mem>>)
      %dma_wait3A = arith.constant 0 : i32
      %dma_wait3A_11 = tpu.memref_slice %arg13[%mul3A_2, %dma_wait3A] : memref<10240x16xf32, #tpu.memory_space<vmem_shared>> -> memref<640x16xf32, #tpu.memory_space<vmem_shared>>
      %dma_wait3A_12 = arith.constant 0 : i32
      %dma_wait3A_13 = tpu.memref_slice %arg6[%mul3A_2, %dma_wait3A_12] : memref<10240x16xf32, #tpu.memory_space<hbm>> -> memref<640x16xf32, #tpu.memory_space<hbm>>
      tpu.wait_dma2 semaphore(%run_scoped3A : memref<!tpu.dma_semaphore, #tpu.memory_space<semaphore_mem>>) src(%dma_wait3A_13 : memref<640x16xf32, #tpu.memory_space<hbm>>) dst(%dma_wait3A_11 : memref<640x16xf32, #tpu.memory_space<vmem_shared>>)
      tpu.yield
    }) : () -> ()
    %barrier3A = arith.constant 0 : index
    tpu.barrier barrier_id(%barrier3A)
    %scan3A = arith.constant 0 : i32
    %scan3A_3 = arith.constant 125 : i32
    %scan3A_4 = arith.addi %scan3A, %scan3A_3 : i32
    %scan3A_5 = arith.constant 1 : i32
    scf.for %scan3A_8 = %scan3A to %scan3A_4 step %scan3A_5  : i32 {
      %mul3A_9 = arith.constant 1 : i32
      %mul3A_10 = arith.muli %scan3A_8, %mul3A_9 : i32
      %add3A_11 = arith.constant 0 : i32
      %add3A_12 = arith.addi %add3A_11, %mul3A_10 : i32
      "tpu.region"() ({
        %run_scoped3A = tpu.sem_alloc : memref<!tpu.dma_semaphore, #tpu.memory_space<semaphore_mem>>
        %dma_start3A = arith.constant 0 : i32
        %dma_start3A_18 = tpu.memref_slice %arg8[%add3A_12, %dma_start3A] : memref<125x80xi32, #tpu.memory_space<vmem>> -> memref<1x80xi32, #tpu.memory_space<vmem>>
        %dma_start3A_19 = tpu.memref_squeeze %dma_start3A_18 : memref<1x80xi32, #tpu.memory_space<vmem>> -> memref<80xi32, #tpu.memory_space<vmem>>
        %dma_start3A_20 = arith.constant 0 : i32
        %dma_start3A_21 = arith.constant 0 : i32
        %dma_start3A_22 = tpu.memref_slice %arg2[%dma_start3A_20, %dma_start3A_21] : memref<10240x16xf32, #tpu.memory_space<hbm>> -> memref<10240x16xf32, #tpu.memory_space<hbm>>
        tpu.enqueue_indirect_dma source(%dma_start3A_22 : memref<10240x16xf32, #tpu.memory_space<hbm>>) target(%arg10 : memref<80x16xf32, #tpu.memory_space<vmem>>) offsets(%dma_start3A_19 : memref<80xi32, #tpu.memory_space<vmem>>) semaphore(%run_scoped3A : memref<!tpu.dma_semaphore, #tpu.memory_space<semaphore_mem>>)
        %dma_wait3A = arith.constant 0 : i32
        %dma_wait3A_23 = tpu.memref_slice %arg8[%add3A_12, %dma_wait3A] : memref<125x80xi32, #tpu.memory_space<vmem>> -> memref<1x80xi32, #tpu.memory_space<vmem>>
        %dma_wait3A_24 = tpu.memref_squeeze %dma_wait3A_23 : memref<1x80xi32, #tpu.memory_space<vmem>> -> memref<80xi32, #tpu.memory_space<vmem>>
        %dma_wait3A_25 = arith.constant 0 : i32
        %dma_wait3A_26 = arith.constant 0 : i32
        %dma_wait3A_27 = tpu.memref_slice %arg2[%dma_wait3A_25, %dma_wait3A_26] : memref<10240x16xf32, #tpu.memory_space<hbm>> -> memref<10240x16xf32, #tpu.memory_space<hbm>>
        tpu.wait_indirect_dma semaphore(%run_scoped3A : memref<!tpu.dma_semaphore, #tpu.memory_space<semaphore_mem>>) src(%dma_wait3A_27 : memref<10240x16xf32, #tpu.memory_space<hbm>>) dst(%arg10 : memref<80x16xf32, #tpu.memory_space<vmem>>)
        tpu.yield
      }) : () -> ()
      "tpu.region"() ({
        %run_scoped3A = tpu.sem_alloc : memref<!tpu.dma_semaphore, #tpu.memory_space<semaphore_mem>>
        %dma_start3A = arith.constant 0 : i32
        %dma_start3A_18 = tpu.memref_slice %arg9[%add3A_12, %dma_start3A] : memref<125x80xi32, #tpu.memory_space<vmem>> -> memref<1x80xi32, #tpu.memory_space<vmem>>
        %dma_start3A_19 = tpu.memref_squeeze %dma_start3A_18 : memref<1x80xi32, #tpu.memory_space<vmem>> -> memref<80xi32, #tpu.memory_space<vmem>>
        %dma_start3A_20 = arith.constant 0 : i32
        %dma_start3A_21 = arith.constant 0 : i32
        %dma_start3A_22 = tpu.memref_slice %arg3[%dma_start3A_20, %dma_start3A_21] : memref<10240x16xf32, #tpu.memory_space<hbm>> -> memref<10240x16xf32, #tpu.memory_space<hbm>>
        tpu.enqueue_indirect_dma source(%dma_start3A_22 : memref<10240x16xf32, #tpu.memory_space<hbm>>) target(%arg11 : memref<80x16xf32, #tpu.memory_space<vmem>>) offsets(%dma_start3A_19 : memref<80xi32, #tpu.memory_space<vmem>>) semaphore(%run_scoped3A : memref<!tpu.dma_semaphore, #tpu.memory_space<semaphore_mem>>)
        %dma_wait3A = arith.constant 0 : i32
        %dma_wait3A_23 = tpu.memref_slice %arg9[%add3A_12, %dma_wait3A] : memref<125x80xi32, #tpu.memory_space<vmem>> -> memref<1x80xi32, #tpu.memory_space<vmem>>
        %dma_wait3A_24 = tpu.memref_squeeze %dma_wait3A_23 : memref<1x80xi32, #tpu.memory_space<vmem>> -> memref<80xi32, #tpu.memory_space<vmem>>
        %dma_wait3A_25 = arith.constant 0 : i32
        %dma_wait3A_26 = arith.constant 0 : i32
        %dma_wait3A_27 = tpu.memref_slice %arg3[%dma_wait3A_25, %dma_wait3A_26] : memref<10240x16xf32, #tpu.memory_space<hbm>> -> memref<10240x16xf32, #tpu.memory_space<hbm>>
        tpu.wait_indirect_dma semaphore(%run_scoped3A : memref<!tpu.dma_semaphore, #tpu.memory_space<semaphore_mem>>) src(%dma_wait3A_27 : memref<10240x16xf32, #tpu.memory_space<hbm>>) dst(%arg11 : memref<80x16xf32, #tpu.memory_space<vmem>>)
        tpu.yield
      }) : () -> ()
      %scan3A_13 = arith.constant 0 : i32
      %scan3A_14 = arith.constant 80 : i32
      %scan3A_15 = arith.addi %scan3A_13, %scan3A_14 : i32
      %scan3A_16 = arith.constant 1 : i32
      scf.for %scan3A_18 = %scan3A_13 to %scan3A_15 step %scan3A_16  : i32 {
        %mul3A_19 = arith.constant 1 : i32
        %mul3A_20 = arith.muli %scan3A_18, %mul3A_19 : i32
        %add3A_21 = arith.constant 0 : i32
        %add3A_22 = arith.addi %add3A_21, %mul3A_20 : i32
        %get3A = arith.index_cast %add3A_22 : i32 to index
        %get3A_23 = arith.constant 0 : index
        %get3A_24 = tpu.vector_load %arg10[%get3A, %get3A_23] {strides = array<i32>} : memref<80x16xf32, #tpu.memory_space<vmem>>, vector<16xf32>,
        %get3A_25 = arith.index_cast %add3A_22 : i32 to index
        %get3A_26 = arith.constant 0 : index
        %get3A_27 = tpu.vector_load %arg11[%get3A_25, %get3A_26] {strides = array<i32>} : memref<80x16xf32, #tpu.memory_space<vmem>>, vector<16xf32>,
        %add3A_28 = arith.addf %get3A_24, %get3A_27 : vector<16xf32>
        %max3A = arith.constant 0.000000e+00 : f32
        %max3A_29 = vector.broadcast %max3A : f32 to vector<16xf32>
        %max3A_30 = arith.maximumf %add3A_28, %max3A_29 : vector<16xf32>
        %min3A = arith.constant 0.000000e+00 : f32
        %min3A_31 = vector.broadcast %min3A : f32 to vector<16xf32>
        %min3A_32 = arith.minimumf %add3A_28, %min3A_31 : vector<16xf32>
        %mul3A_33 = arith.constant 2.000000e-01 : f32
        %mul3A_34 = vector.broadcast %mul3A_33 : f32 to vector<16xf32>
        %mul3A_35 = arith.mulf %mul3A_34, %min3A_32 : vector<16xf32>
        %add3A_36 = arith.addf %max3A_30, %mul3A_35 : vector<16xf32>
        %exp3A = math.exp %add3A_36 : vector<16xf32>
        %swap3A = arith.index_cast %add3A_22 : i32 to index
        %swap3A_37 = arith.constant 0 : index
        %swap3A_38 = tpu.vector_load %arg12[%swap3A, %swap3A_37] {strides = array<i32>} : memref<80x16xf32, #tpu.memory_space<vmem>>, vector<16xf32>,
        tpu.vector_store %arg12[%swap3A, %swap3A_37], %exp3A {strides = array<i32>} : memref<80x16xf32, #tpu.memory_space<vmem>>, vector<16xf32>,
      }
      %scan3A_17 = arith.constant 80 : i32
      "tpu.region"() ({
        %run_scoped3A = tpu.sem_alloc : memref<!tpu.dma_semaphore, #tpu.memory_space<semaphore_mem>>
        %dma_start3A = arith.constant 0 : i32
        %dma_start3A_18 = tpu.memref_slice %arg9[%add3A_12, %dma_start3A] : memref<125x80xi32, #tpu.memory_space<vmem>> -> memref<1x80xi32, #tpu.memory_space<vmem>>
        %dma_start3A_19 = tpu.memref_squeeze %dma_start3A_18 : memref<1x80xi32, #tpu.memory_space<vmem>> -> memref<80xi32, #tpu.memory_space<vmem>>
        %dma_start3A_20 = arith.constant 0 : i32
        %dma_start3A_21 = arith.constant 0 : i32
        %dma_start3A_22 = tpu.memref_slice %arg13[%dma_start3A_20, %dma_start3A_21] : memref<10240x16xf32, #tpu.memory_space<vmem_shared>> -> memref<10240x16xf32, #tpu.memory_space<vmem_shared>>
        tpu.enqueue_indirect_dma source(%arg12 : memref<80x16xf32, #tpu.memory_space<vmem>>) target(%dma_start3A_22 : memref<10240x16xf32, #tpu.memory_space<vmem_shared>>) offsets(%dma_start3A_19 : memref<80xi32, #tpu.memory_space<vmem>>) semaphore(%run_scoped3A : memref<!tpu.dma_semaphore, #tpu.memory_space<semaphore_mem>>) {add = true}
        %dma_wait3A = arith.constant 0 : i32
        %dma_wait3A_23 = tpu.memref_slice %arg9[%add3A_12, %dma_wait3A] : memref<125x80xi32, #tpu.memory_space<vmem>> -> memref<1x80xi32, #tpu.memory_space<vmem>>
        %dma_wait3A_24 = tpu.memref_squeeze %dma_wait3A_23 : memref<1x80xi32, #tpu.memory_space<vmem>> -> memref<80xi32, #tpu.memory_space<vmem>>
        %dma_wait3A_25 = arith.constant 0 : i32
        %dma_wait3A_26 = arith.constant 0 : i32
        %dma_wait3A_27 = tpu.memref_slice %arg13[%dma_wait3A_25, %dma_wait3A_26] : memref<10240x16xf32, #tpu.memory_space<vmem_shared>> -> memref<10240x16xf32, #tpu.memory_space<vmem_shared>>
        tpu.wait_indirect_dma semaphore(%run_scoped3A : memref<!tpu.dma_semaphore, #tpu.memory_space<semaphore_mem>>) src(%arg12 : memref<80x16xf32, #tpu.memory_space<vmem>>) dst(%dma_wait3A_27 : memref<10240x16xf32, #tpu.memory_space<vmem_shared>>)
        tpu.yield
      }) : () -> ()
    }
    %scan3A_6 = arith.constant 125 : i32
    %barrier3A_7 = arith.constant 0 : index
    tpu.barrier barrier_id(%barrier3A_7)
    "tpu.region"() ({
      %run_scoped3A = tpu.sem_alloc : memref<!tpu.dma_semaphore, #tpu.memory_space<semaphore_mem>>
      %dma_start3A = arith.constant 0 : i32
      %dma_start3A_8 = tpu.memref_slice %arg7[%arg0, %mul3A_2, %dma_start3A] : memref<2x10240x16xf32, #tpu.memory_space<hbm>> -> memref<1x640x16xf32, #tpu.memory_space<hbm>>
      %dma_start3A_9 = tpu.memref_squeeze %dma_start3A_8 : memref<1x640x16xf32, #tpu.memory_space<hbm>> -> memref<640x16xf32, #tpu.memory_space<hbm>>
      %dma_start3A_10 = arith.constant 0 : i32
      %dma_start3A_11 = tpu.memref_slice %arg13[%mul3A_2, %dma_start3A_10] : memref<10240x16xf32, #tpu.memory_space<vmem_shared>> -> memref<640x16xf32, #tpu.memory_space<vmem_shared>>
      tpu.enqueue_dma source(%dma_start3A_11 : memref<640x16xf32, #tpu.memory_space<vmem_shared>>) target(%dma_start3A_9 : memref<640x16xf32, #tpu.memory_space<hbm>>) target_semaphore(%run_scoped3A : memref<!tpu.dma_semaphore, #tpu.memory_space<semaphore_mem>>)
      %dma_wait3A = arith.constant 0 : i32
      %dma_wait3A_12 = tpu.memref_slice %arg7[%arg0, %mul3A_2, %dma_wait3A] : memref<2x10240x16xf32, #tpu.memory_space<hbm>> -> memref<1x640x16xf32, #tpu.memory_space<hbm>>
      %dma_wait3A_13 = tpu.memref_squeeze %dma_wait3A_12 : memref<1x640x16xf32, #tpu.memory_space<hbm>> -> memref<640x16xf32, #tpu.memory_space<hbm>>
      %dma_wait3A_14 = arith.constant 0 : i32
      %dma_wait3A_15 = tpu.memref_slice %arg13[%mul3A_2, %dma_wait3A_14] : memref<10240x16xf32, #tpu.memory_space<vmem_shared>> -> memref<640x16xf32, #tpu.memory_space<vmem_shared>>
      tpu.wait_dma2 semaphore(%run_scoped3A : memref<!tpu.dma_semaphore, #tpu.memory_space<semaphore_mem>>) src(%dma_wait3A_15 : memref<640x16xf32, #tpu.memory_space<vmem_shared>>) dst(%dma_wait3A_13 : memref<640x16xf32, #tpu.memory_space<hbm>>)
      tpu.yield
    }) : () -> ()
    return
  }
}

#map = affine_map<(d0, d1) -> (0, 0)>
#map1 = affine_map<(d0, d1) -> (0)>
#map2 = affine_map<(d0, d1) -> (0, 0, 0)>
module attributes {stable_mosaic.version = 14 : i64} {
  func.func @_p4_body(%arg0: i32, %arg1: i32, %arg2: memref<10240x8xf32, #tpu.memory_space<hbm>>, %arg3: memref<10240xf32, #tpu.memory_space<hbm>>, %arg4: memref<32x125x80xi32, #tpu.memory_space<hbm>>, %arg5: memref<32x125x80xi32, #tpu.memory_space<hbm>>, %arg6: memref<10240x16xf32, #tpu.memory_space<hbm>>, %arg7: memref<2x10240x16xf32, #tpu.memory_space<hbm>>, %arg8: memref<125x80xi32, #tpu.memory_space<vmem>>, %arg9: memref<125x80xi32, #tpu.memory_space<vmem>>, %arg10: memref<10240x8xf32, #tpu.memory_space<vmem>>, %arg11: memref<10240xf32, #tpu.memory_space<vmem>>, %arg12: memref<80x16xf32, #tpu.memory_space<vmem>>, %arg13: memref<10240x16xf32, #tpu.memory_space<vmem_shared>>) attributes {dimension_semantics = [#tpu.dimension_semantics<core_parallel>, #tpu.dimension_semantics<subcore_parallel>], iteration_bounds = array<i64: 2, 16>, scalar_prefetch = 0 : i64, scratch_operands = 6 : i64, tpu.core_type = #tpu.core_type<sc_vector_subcore>, window_params = [{transform_indices = #map}, {transform_indices = #map1}, {transform_indices = #map2}, {transform_indices = #map2}, {transform_indices = #map}, {transform_indices = #map2}]} {
    %mul3A = arith.constant 16 : i32
    %mul3A_0 = arith.muli %arg0, %mul3A : i32
    %add3A = arith.addi %mul3A_0, %arg1 : i32
    "tpu.region"() ({
      %run_scoped3A = tpu.sem_alloc : memref<!tpu.dma_semaphore, #tpu.memory_space<semaphore_mem>>
      %dma_start3A = arith.constant 0 : i32
      %dma_start3A_15 = arith.constant 0 : i32
      %dma_start3A_16 = tpu.memref_slice %arg4[%add3A, %dma_start3A, %dma_start3A_15] : memref<32x125x80xi32, #tpu.memory_space<hbm>> -> memref<1x125x80xi32, #tpu.memory_space<hbm>>
      %dma_start3A_17 = tpu.memref_squeeze %dma_start3A_16 : memref<1x125x80xi32, #tpu.memory_space<hbm>> -> memref<125x80xi32, #tpu.memory_space<hbm>>
      %dma_start3A_18 = arith.constant 0 : i32
      %dma_start3A_19 = arith.constant 0 : i32
      %dma_start3A_20 = tpu.memref_slice %arg4[%add3A, %dma_start3A_18, %dma_start3A_19] : memref<32x125x80xi32, #tpu.memory_space<hbm>> -> memref<1x125x80xi32, #tpu.memory_space<hbm>>
      %dma_start3A_21 = tpu.memref_squeeze %dma_start3A_20 : memref<1x125x80xi32, #tpu.memory_space<hbm>> -> memref<125x80xi32, #tpu.memory_space<hbm>>
      tpu.enqueue_dma source(%dma_start3A_21 : memref<125x80xi32, #tpu.memory_space<hbm>>) target(%arg8 : memref<125x80xi32, #tpu.memory_space<vmem>>) target_semaphore(%run_scoped3A : memref<!tpu.dma_semaphore, #tpu.memory_space<semaphore_mem>>)
      %dma_wait3A = arith.constant 0 : i32
      %dma_wait3A_22 = arith.constant 0 : i32
      %dma_wait3A_23 = tpu.memref_slice %arg4[%add3A, %dma_wait3A, %dma_wait3A_22] : memref<32x125x80xi32, #tpu.memory_space<hbm>> -> memref<1x125x80xi32, #tpu.memory_space<hbm>>
      %dma_wait3A_24 = tpu.memref_squeeze %dma_wait3A_23 : memref<1x125x80xi32, #tpu.memory_space<hbm>> -> memref<125x80xi32, #tpu.memory_space<hbm>>
      %dma_wait3A_25 = arith.constant 0 : i32
      %dma_wait3A_26 = arith.constant 0 : i32
      %dma_wait3A_27 = tpu.memref_slice %arg4[%add3A, %dma_wait3A_25, %dma_wait3A_26] : memref<32x125x80xi32, #tpu.memory_space<hbm>> -> memref<1x125x80xi32, #tpu.memory_space<hbm>>
      %dma_wait3A_28 = tpu.memref_squeeze %dma_wait3A_27 : memref<1x125x80xi32, #tpu.memory_space<hbm>> -> memref<125x80xi32, #tpu.memory_space<hbm>>
      tpu.wait_dma2 semaphore(%run_scoped3A : memref<!tpu.dma_semaphore, #tpu.memory_space<semaphore_mem>>) src(%dma_wait3A_28 : memref<125x80xi32, #tpu.memory_space<hbm>>) dst(%arg8 : memref<125x80xi32, #tpu.memory_space<vmem>>)
      tpu.yield
    }) : () -> ()
    "tpu.region"() ({
      %run_scoped3A = tpu.sem_alloc : memref<!tpu.dma_semaphore, #tpu.memory_space<semaphore_mem>>
      %dma_start3A = arith.constant 0 : i32
      %dma_start3A_15 = arith.constant 0 : i32
      %dma_start3A_16 = tpu.memref_slice %arg5[%add3A, %dma_start3A, %dma_start3A_15] : memref<32x125x80xi32, #tpu.memory_space<hbm>> -> memref<1x125x80xi32, #tpu.memory_space<hbm>>
      %dma_start3A_17 = tpu.memref_squeeze %dma_start3A_16 : memref<1x125x80xi32, #tpu.memory_space<hbm>> -> memref<125x80xi32, #tpu.memory_space<hbm>>
      %dma_start3A_18 = arith.constant 0 : i32
      %dma_start3A_19 = arith.constant 0 : i32
      %dma_start3A_20 = tpu.memref_slice %arg5[%add3A, %dma_start3A_18, %dma_start3A_19] : memref<32x125x80xi32, #tpu.memory_space<hbm>> -> memref<1x125x80xi32, #tpu.memory_space<hbm>>
      %dma_start3A_21 = tpu.memref_squeeze %dma_start3A_20 : memref<1x125x80xi32, #tpu.memory_space<hbm>> -> memref<125x80xi32, #tpu.memory_space<hbm>>
      tpu.enqueue_dma source(%dma_start3A_21 : memref<125x80xi32, #tpu.memory_space<hbm>>) target(%arg9 : memref<125x80xi32, #tpu.memory_space<vmem>>) target_semaphore(%run_scoped3A : memref<!tpu.dma_semaphore, #tpu.memory_space<semaphore_mem>>)
      %dma_wait3A = arith.constant 0 : i32
      %dma_wait3A_22 = arith.constant 0 : i32
      %dma_wait3A_23 = tpu.memref_slice %arg5[%add3A, %dma_wait3A, %dma_wait3A_22] : memref<32x125x80xi32, #tpu.memory_space<hbm>> -> memref<1x125x80xi32, #tpu.memory_space<hbm>>
      %dma_wait3A_24 = tpu.memref_squeeze %dma_wait3A_23 : memref<1x125x80xi32, #tpu.memory_space<hbm>> -> memref<125x80xi32, #tpu.memory_space<hbm>>
      %dma_wait3A_25 = arith.constant 0 : i32
      %dma_wait3A_26 = arith.constant 0 : i32
      %dma_wait3A_27 = tpu.memref_slice %arg5[%add3A, %dma_wait3A_25, %dma_wait3A_26] : memref<32x125x80xi32, #tpu.memory_space<hbm>> -> memref<1x125x80xi32, #tpu.memory_space<hbm>>
      %dma_wait3A_28 = tpu.memref_squeeze %dma_wait3A_27 : memref<1x125x80xi32, #tpu.memory_space<hbm>> -> memref<125x80xi32, #tpu.memory_space<hbm>>
      tpu.wait_dma2 semaphore(%run_scoped3A : memref<!tpu.dma_semaphore, #tpu.memory_space<semaphore_mem>>) src(%dma_wait3A_28 : memref<125x80xi32, #tpu.memory_space<hbm>>) dst(%arg9 : memref<125x80xi32, #tpu.memory_space<vmem>>)
      tpu.yield
    }) : () -> ()
    "tpu.region"() ({
      %run_scoped3A = tpu.sem_alloc : memref<!tpu.dma_semaphore, #tpu.memory_space<semaphore_mem>>
      tpu.enqueue_dma source(%arg2 : memref<10240x8xf32, #tpu.memory_space<hbm>>) target(%arg10 : memref<10240x8xf32, #tpu.memory_space<vmem>>) target_semaphore(%run_scoped3A : memref<!tpu.dma_semaphore, #tpu.memory_space<semaphore_mem>>)
      tpu.wait_dma2 semaphore(%run_scoped3A : memref<!tpu.dma_semaphore, #tpu.memory_space<semaphore_mem>>) src(%arg2 : memref<10240x8xf32, #tpu.memory_space<hbm>>) dst(%arg10 : memref<10240x8xf32, #tpu.memory_space<vmem>>)
      tpu.yield
    }) : () -> ()
    "tpu.region"() ({
      %run_scoped3A = tpu.sem_alloc : memref<!tpu.dma_semaphore, #tpu.memory_space<semaphore_mem>>
      tpu.enqueue_dma source(%arg3 : memref<10240xf32, #tpu.memory_space<hbm>>) target(%arg11 : memref<10240xf32, #tpu.memory_space<vmem>>) target_semaphore(%run_scoped3A : memref<!tpu.dma_semaphore, #tpu.memory_space<semaphore_mem>>)
      tpu.wait_dma2 semaphore(%run_scoped3A : memref<!tpu.dma_semaphore, #tpu.memory_space<semaphore_mem>>) src(%arg3 : memref<10240xf32, #tpu.memory_space<hbm>>) dst(%arg11 : memref<10240xf32, #tpu.memory_space<vmem>>)
      tpu.yield
    }) : () -> ()
    %mul3A_1 = arith.constant 640 : i32
    %mul3A_2 = arith.muli %arg1, %mul3A_1 : i32
    "tpu.region"() ({
      %run_scoped3A = tpu.sem_alloc : memref<!tpu.dma_semaphore, #tpu.memory_space<semaphore_mem>>
      %dma_start3A = arith.constant 0 : i32
      %dma_start3A_15 = tpu.memref_slice %arg13[%mul3A_2, %dma_start3A] : memref<10240x16xf32, #tpu.memory_space<vmem_shared>> -> memref<640x16xf32, #tpu.memory_space<vmem_shared>>
      %dma_start3A_16 = arith.constant 0 : i32
      %dma_start3A_17 = tpu.memref_slice %arg6[%mul3A_2, %dma_start3A_16] : memref<10240x16xf32, #tpu.memory_space<hbm>> -> memref<640x16xf32, #tpu.memory_space<hbm>>
      tpu.enqueue_dma source(%dma_start3A_17 : memref<640x16xf32, #tpu.memory_space<hbm>>) target(%dma_start3A_15 : memref<640x16xf32, #tpu.memory_space<vmem_shared>>) target_semaphore(%run_scoped3A : memref<!tpu.dma_semaphore, #tpu.memory_space<semaphore_mem>>)
      %dma_wait3A = arith.constant 0 : i32
      %dma_wait3A_18 = tpu.memref_slice %arg13[%mul3A_2, %dma_wait3A] : memref<10240x16xf32, #tpu.memory_space<vmem_shared>> -> memref<640x16xf32, #tpu.memory_space<vmem_shared>>
      %dma_wait3A_19 = arith.constant 0 : i32
      %dma_wait3A_20 = tpu.memref_slice %arg6[%mul3A_2, %dma_wait3A_19] : memref<10240x16xf32, #tpu.memory_space<hbm>> -> memref<640x16xf32, #tpu.memory_space<hbm>>
      tpu.wait_dma2 semaphore(%run_scoped3A : memref<!tpu.dma_semaphore, #tpu.memory_space<semaphore_mem>>) src(%dma_wait3A_20 : memref<640x16xf32, #tpu.memory_space<hbm>>) dst(%dma_wait3A_18 : memref<640x16xf32, #tpu.memory_space<vmem_shared>>)
      tpu.yield
    }) : () -> ()
    "tpu.region"() ({
      %run_scoped3A = tpu.sem_alloc : memref<!tpu.dma_semaphore, #tpu.memory_space<semaphore_mem>>
      %dma_start3A = arith.constant 0 : i32
      %dma_start3A_15 = arith.constant 0 : i32
      %dma_start3A_16 = tpu.memref_slice %arg6[%dma_start3A, %dma_start3A_15] : memref<10240x16xf32, #tpu.memory_space<hbm>> -> memref<80x16xf32, #tpu.memory_space<hbm>>
      %dma_start3A_17 = arith.constant 0 : i32
      %dma_start3A_18 = arith.constant 0 : i32
      %dma_start3A_19 = tpu.memref_slice %arg6[%dma_start3A_17, %dma_start3A_18] : memref<10240x16xf32, #tpu.memory_space<hbm>> -> memref<80x16xf32, #tpu.memory_space<hbm>>
      tpu.enqueue_dma source(%dma_start3A_19 : memref<80x16xf32, #tpu.memory_space<hbm>>) target(%arg12 : memref<80x16xf32, #tpu.memory_space<vmem>>) target_semaphore(%run_scoped3A : memref<!tpu.dma_semaphore, #tpu.memory_space<semaphore_mem>>)
      %dma_wait3A = arith.constant 0 : i32
      %dma_wait3A_20 = arith.constant 0 : i32
      %dma_wait3A_21 = tpu.memref_slice %arg6[%dma_wait3A, %dma_wait3A_20] : memref<10240x16xf32, #tpu.memory_space<hbm>> -> memref<80x16xf32, #tpu.memory_space<hbm>>
      %dma_wait3A_22 = arith.constant 0 : i32
      %dma_wait3A_23 = arith.constant 0 : i32
      %dma_wait3A_24 = tpu.memref_slice %arg6[%dma_wait3A_22, %dma_wait3A_23] : memref<10240x16xf32, #tpu.memory_space<hbm>> -> memref<80x16xf32, #tpu.memory_space<hbm>>
      tpu.wait_dma2 semaphore(%run_scoped3A : memref<!tpu.dma_semaphore, #tpu.memory_space<semaphore_mem>>) src(%dma_wait3A_24 : memref<80x16xf32, #tpu.memory_space<hbm>>) dst(%arg12 : memref<80x16xf32, #tpu.memory_space<vmem>>)
      tpu.yield
    }) : () -> ()
    %barrier3A = arith.constant 0 : index
    tpu.barrier barrier_id(%barrier3A)
    %iota3A = tpu.iota {dimensions = array<i32: 0>} : vector<16xi32>
    %broadcast_in_dim3A = arith.constant 0 : i32
    %broadcast_in_dim3A_3 = vector.broadcast %broadcast_in_dim3A : i32 to vector<16xi32>
    %add3A_4 = arith.constant 1 : i32
    %add3A_5 = vector.broadcast %add3A_4 : i32 to vector<16xi32>
    %add3A_6 = arith.addi %broadcast_in_dim3A_3, %add3A_5 : vector<16xi32>
    %add3A_7 = arith.constant 2 : i32
    %add3A_8 = vector.broadcast %add3A_7 : i32 to vector<16xi32>
    %add3A_9 = arith.addi %broadcast_in_dim3A_3, %add3A_8 : vector<16xi32>
    %scan3A = arith.constant 0 : i32
    %scan3A_10 = arith.constant 125 : i32
    %scan3A_11 = arith.addi %scan3A, %scan3A_10 : i32
    %scan3A_12 = arith.constant 1 : i32
    scf.for %scan3A_15 = %scan3A to %scan3A_11 step %scan3A_12  : i32 {
      %mul3A_16 = arith.constant 1 : i32
      %mul3A_17 = arith.muli %scan3A_15, %mul3A_16 : i32
      %add3A_18 = arith.constant 0 : i32
      %add3A_19 = arith.addi %add3A_18, %mul3A_17 : i32
      %scan3A_20 = arith.constant 0 : i32
      %scan3A_21 = arith.constant 5 : i32
      %scan3A_22 = arith.addi %scan3A_20, %scan3A_21 : i32
      %scan3A_23 = arith.constant 1 : i32
      scf.for %scan3A_25 = %scan3A_20 to %scan3A_22 step %scan3A_23  : i32 {
        %mul3A_26 = arith.constant 1 : i32
        %mul3A_27 = arith.muli %scan3A_25, %mul3A_26 : i32
        %add3A_28 = arith.constant 0 : i32
        %add3A_29 = arith.addi %add3A_28, %mul3A_27 : i32
        %mul3A_30 = arith.constant 16 : i32
        %mul3A_31 = arith.muli %add3A_29, %mul3A_30 : i32
        %get3A = arith.index_cast %add3A_19 : i32 to index
        %get3A_32 = arith.index_cast %mul3A_31 : i32 to index
        %get3A_33 = tpu.vector_load %arg8[%get3A, %get3A_32] {strides = array<i32>} : memref<125x80xi32, #tpu.memory_space<vmem>>, vector<16xi32>,
        %mul3A_34 = arith.constant 16 : i32
        %mul3A_35 = arith.muli %add3A_29, %mul3A_34 : i32
        %get3A_36 = arith.index_cast %add3A_19 : i32 to index
        %get3A_37 = arith.index_cast %mul3A_35 : i32 to index
        %get3A_38 = tpu.vector_load %arg9[%get3A_36, %get3A_37] {strides = array<i32>} : memref<125x80xi32, #tpu.memory_space<vmem>>, vector<16xi32>,
        %gather3A = tpu.vector_load_idx %arg10[%get3A_33, %broadcast_in_dim3A_3] : memref<10240x8xf32, #tpu.memory_space<vmem>>[vector<16xi32>, vector<16xi32>], vector<16xf32>,
        %gather3A_39 = tpu.vector_load_idx %arg10[%get3A_38, %add3A_6] : memref<10240x8xf32, #tpu.memory_space<vmem>>[vector<16xi32>, vector<16xi32>], vector<16xf32>,
        %gather3A_40 = tpu.vector_load_idx %arg10[%get3A_33, %add3A_9] : memref<10240x8xf32, #tpu.memory_space<vmem>>[vector<16xi32>, vector<16xi32>], vector<16xf32>,
        %gather3A_41 = tpu.vector_load_idx %arg11[%get3A_38] : memref<10240xf32, #tpu.memory_space<vmem>>[vector<16xi32>], vector<16xf32>,
        %add3A_42 = arith.addf %gather3A, %gather3A_39 : vector<16xf32>
        %max3A = arith.constant 0.000000e+00 : f32
        %max3A_43 = vector.broadcast %max3A : f32 to vector<16xf32>
        %max3A_44 = arith.maximumf %add3A_42, %max3A_43 : vector<16xf32>
        %min3A = arith.constant 0.000000e+00 : f32
        %min3A_45 = vector.broadcast %min3A : f32 to vector<16xf32>
        %min3A_46 = arith.minimumf %add3A_42, %min3A_45 : vector<16xf32>
        %mul3A_47 = arith.constant 2.000000e-01 : f32
        %mul3A_48 = vector.broadcast %mul3A_47 : f32 to vector<16xf32>
        %mul3A_49 = arith.mulf %mul3A_48, %min3A_46 : vector<16xf32>
        %add3A_50 = arith.addf %max3A_44, %mul3A_49 : vector<16xf32>
        %exp3A = math.exp %add3A_50 : vector<16xf32>
        %mul3A_51 = arith.mulf %gather3A_40, %exp3A : vector<16xf32>
        %add3A_52 = arith.constant 9.99999971E-10 : f32
        %add3A_53 = vector.broadcast %add3A_52 : f32 to vector<16xf32>
        %add3A_54 = arith.addf %gather3A_41, %add3A_53 : vector<16xf32>
        %div3A = arith.divf %mul3A_51, %add3A_54 : vector<16xf32>
        %mul3A_55 = arith.constant 16 : i32
        %mul3A_56 = arith.muli %add3A_29, %mul3A_55 : i32
        %add3A_57 = vector.broadcast %mul3A_56 : i32 to vector<16xi32>
        %add3A_58 = arith.addi %add3A_57, %iota3A : vector<16xi32>
        tpu.vector_store_idx %arg12[%add3A_58, %broadcast_in_dim3A_3], %div3A : memref<80x16xf32, #tpu.memory_space<vmem>>[vector<16xi32>, vector<16xi32>], vector<16xf32>,
      }
      %scan3A_24 = arith.constant 5 : i32
      "tpu.region"() ({
        %run_scoped3A = tpu.sem_alloc : memref<!tpu.dma_semaphore, #tpu.memory_space<semaphore_mem>>
        %dma_start3A = arith.constant 0 : i32
        %dma_start3A_25 = tpu.memref_slice %arg9[%add3A_19, %dma_start3A] : memref<125x80xi32, #tpu.memory_space<vmem>> -> memref<1x80xi32, #tpu.memory_space<vmem>>
        %dma_start3A_26 = tpu.memref_squeeze %dma_start3A_25 : memref<1x80xi32, #tpu.memory_space<vmem>> -> memref<80xi32, #tpu.memory_space<vmem>>
        %dma_start3A_27 = arith.constant 0 : i32
        %dma_start3A_28 = arith.constant 0 : i32
        %dma_start3A_29 = tpu.memref_slice %arg13[%dma_start3A_27, %dma_start3A_28] : memref<10240x16xf32, #tpu.memory_space<vmem_shared>> -> memref<10240x16xf32, #tpu.memory_space<vmem_shared>>
        tpu.enqueue_indirect_dma source(%arg12 : memref<80x16xf32, #tpu.memory_space<vmem>>) target(%dma_start3A_29 : memref<10240x16xf32, #tpu.memory_space<vmem_shared>>) offsets(%dma_start3A_26 : memref<80xi32, #tpu.memory_space<vmem>>) semaphore(%run_scoped3A : memref<!tpu.dma_semaphore, #tpu.memory_space<semaphore_mem>>) {add = true}
        %dma_wait3A = arith.constant 0 : i32
        %dma_wait3A_30 = tpu.memref_slice %arg9[%add3A_19, %dma_wait3A] : memref<125x80xi32, #tpu.memory_space<vmem>> -> memref<1x80xi32, #tpu.memory_space<vmem>>
        %dma_wait3A_31 = tpu.memref_squeeze %dma_wait3A_30 : memref<1x80xi32, #tpu.memory_space<vmem>> -> memref<80xi32, #tpu.memory_space<vmem>>
        %dma_wait3A_32 = arith.constant 0 : i32
        %dma_wait3A_33 = arith.constant 0 : i32
        %dma_wait3A_34 = tpu.memref_slice %arg13[%dma_wait3A_32, %dma_wait3A_33] : memref<10240x16xf32, #tpu.memory_space<vmem_shared>> -> memref<10240x16xf32, #tpu.memory_space<vmem_shared>>
        tpu.wait_indirect_dma semaphore(%run_scoped3A : memref<!tpu.dma_semaphore, #tpu.memory_space<semaphore_mem>>) src(%arg12 : memref<80x16xf32, #tpu.memory_space<vmem>>) dst(%dma_wait3A_34 : memref<10240x16xf32, #tpu.memory_space<vmem_shared>>)
        tpu.yield
      }) : () -> ()
    }
    %scan3A_13 = arith.constant 125 : i32
    %barrier3A_14 = arith.constant 0 : index
    tpu.barrier barrier_id(%barrier3A_14)
    "tpu.region"() ({
      %run_scoped3A = tpu.sem_alloc : memref<!tpu.dma_semaphore, #tpu.memory_space<semaphore_mem>>
      %dma_start3A = arith.constant 0 : i32
      %dma_start3A_15 = tpu.memref_slice %arg7[%arg0, %mul3A_2, %dma_start3A] : memref<2x10240x16xf32, #tpu.memory_space<hbm>> -> memref<1x640x16xf32, #tpu.memory_space<hbm>>
      %dma_start3A_16 = tpu.memref_squeeze %dma_start3A_15 : memref<1x640x16xf32, #tpu.memory_space<hbm>> -> memref<640x16xf32, #tpu.memory_space<hbm>>
      %dma_start3A_17 = arith.constant 0 : i32
      %dma_start3A_18 = tpu.memref_slice %arg13[%mul3A_2, %dma_start3A_17] : memref<10240x16xf32, #tpu.memory_space<vmem_shared>> -> memref<640x16xf32, #tpu.memory_space<vmem_shared>>
      tpu.enqueue_dma source(%dma_start3A_18 : memref<640x16xf32, #tpu.memory_space<vmem_shared>>) target(%dma_start3A_16 : memref<640x16xf32, #tpu.memory_space<hbm>>) target_semaphore(%run_scoped3A : memref<!tpu.dma_semaphore, #tpu.memory_space<semaphore_mem>>)
      %dma_wait3A = arith.constant 0 : i32
      %dma_wait3A_19 = tpu.memref_slice %arg7[%arg0, %mul3A_2, %dma_wait3A] : memref<2x10240x16xf32, #tpu.memory_space<hbm>> -> memref<1x640x16xf32, #tpu.memory_space<hbm>>
      %dma_wait3A_20 = tpu.memref_squeeze %dma_wait3A_19 : memref<1x640x16xf32, #tpu.memory_space<hbm>> -> memref<640x16xf32, #tpu.memory_space<hbm>>
      %dma_wait3A_21 = arith.constant 0 : i32
      %dma_wait3A_22 = tpu.memref_slice %arg13[%mul3A_2, %dma_wait3A_21] : memref<10240x16xf32, #tpu.memory_space<vmem_shared>> -> memref<640x16xf32, #tpu.memory_space<vmem_shared>>
      tpu.wait_dma2 semaphore(%run_scoped3A : memref<!tpu.dma_semaphore, #tpu.memory_space<semaphore_mem>>) src(%dma_wait3A_22 : memref<640x16xf32, #tpu.memory_space<vmem_shared>>) dst(%dma_wait3A_20 : memref<640x16xf32, #tpu.memory_space<hbm>>)
      tpu.yield
    }) : () -> ()
    return
  }
}

#map = affine_map<(d0, d1) -> (0, 0)>
#map1 = affine_map<(d0, d1) -> (0, 0, 0)>
module attributes {stable_mosaic.version = 14 : i64} {
  func.func @_p3_body(%arg0: i32, %arg1: i32, %arg2: memref<10240x8xf32, #tpu.memory_space<hbm>>, %arg3: memref<32x125x80xi32, #tpu.memory_space<hbm>>, %arg4: memref<32x125x80xi32, #tpu.memory_space<hbm>>, %arg5: memref<10240x16xf32, #tpu.memory_space<hbm>>, %arg6: memref<2x10240x16xf32, #tpu.memory_space<hbm>>, %arg7: memref<125x80xi32, #tpu.memory_space<vmem>>, %arg8: memref<125x80xi32, #tpu.memory_space<vmem>>, %arg9: memref<10240x8xf32, #tpu.memory_space<vmem>>, %arg10: memref<80x16xf32, #tpu.memory_space<vmem>>, %arg11: memref<10240x16xf32, #tpu.memory_space<vmem_shared>>) attributes {dimension_semantics = [#tpu.dimension_semantics<core_parallel>, #tpu.dimension_semantics<subcore_parallel>], iteration_bounds = array<i64: 2, 16>, scalar_prefetch = 0 : i64, scratch_operands = 5 : i64, tpu.core_type = #tpu.core_type<sc_vector_subcore>, window_params = [{transform_indices = #map}, {transform_indices = #map1}, {transform_indices = #map1}, {transform_indices = #map}, {transform_indices = #map1}]} {
    %mul3A = arith.constant 16 : i32
    %mul3A_0 = arith.muli %arg0, %mul3A : i32
    %add3A = arith.addi %mul3A_0, %arg1 : i32
    "tpu.region"() ({
      %run_scoped3A = tpu.sem_alloc : memref<!tpu.dma_semaphore, #tpu.memory_space<semaphore_mem>>
      %dma_start3A = arith.constant 0 : i32
      %dma_start3A_12 = arith.constant 0 : i32
      %dma_start3A_13 = tpu.memref_slice %arg3[%add3A, %dma_start3A, %dma_start3A_12] : memref<32x125x80xi32, #tpu.memory_space<hbm>> -> memref<1x125x80xi32, #tpu.memory_space<hbm>>
      %dma_start3A_14 = tpu.memref_squeeze %dma_start3A_13 : memref<1x125x80xi32, #tpu.memory_space<hbm>> -> memref<125x80xi32, #tpu.memory_space<hbm>>
      %dma_start3A_15 = arith.constant 0 : i32
      %dma_start3A_16 = arith.constant 0 : i32
      %dma_start3A_17 = tpu.memref_slice %arg3[%add3A, %dma_start3A_15, %dma_start3A_16] : memref<32x125x80xi32, #tpu.memory_space<hbm>> -> memref<1x125x80xi32, #tpu.memory_space<hbm>>
      %dma_start3A_18 = tpu.memref_squeeze %dma_start3A_17 : memref<1x125x80xi32, #tpu.memory_space<hbm>> -> memref<125x80xi32, #tpu.memory_space<hbm>>
      tpu.enqueue_dma source(%dma_start3A_18 : memref<125x80xi32, #tpu.memory_space<hbm>>) target(%arg7 : memref<125x80xi32, #tpu.memory_space<vmem>>) target_semaphore(%run_scoped3A : memref<!tpu.dma_semaphore, #tpu.memory_space<semaphore_mem>>)
      %dma_wait3A = arith.constant 0 : i32
      %dma_wait3A_19 = arith.constant 0 : i32
      %dma_wait3A_20 = tpu.memref_slice %arg3[%add3A, %dma_wait3A, %dma_wait3A_19] : memref<32x125x80xi32, #tpu.memory_space<hbm>> -> memref<1x125x80xi32, #tpu.memory_space<hbm>>
      %dma_wait3A_21 = tpu.memref_squeeze %dma_wait3A_20 : memref<1x125x80xi32, #tpu.memory_space<hbm>> -> memref<125x80xi32, #tpu.memory_space<hbm>>
      %dma_wait3A_22 = arith.constant 0 : i32
      %dma_wait3A_23 = arith.constant 0 : i32
      %dma_wait3A_24 = tpu.memref_slice %arg3[%add3A, %dma_wait3A_22, %dma_wait3A_23] : memref<32x125x80xi32, #tpu.memory_space<hbm>> -> memref<1x125x80xi32, #tpu.memory_space<hbm>>
      %dma_wait3A_25 = tpu.memref_squeeze %dma_wait3A_24 : memref<1x125x80xi32, #tpu.memory_space<hbm>> -> memref<125x80xi32, #tpu.memory_space<hbm>>
      tpu.wait_dma2 semaphore(%run_scoped3A : memref<!tpu.dma_semaphore, #tpu.memory_space<semaphore_mem>>) src(%dma_wait3A_25 : memref<125x80xi32, #tpu.memory_space<hbm>>) dst(%arg7 : memref<125x80xi32, #tpu.memory_space<vmem>>)
      tpu.yield
    }) : () -> ()
    "tpu.region"() ({
      %run_scoped3A = tpu.sem_alloc : memref<!tpu.dma_semaphore, #tpu.memory_space<semaphore_mem>>
      %dma_start3A = arith.constant 0 : i32
      %dma_start3A_12 = arith.constant 0 : i32
      %dma_start3A_13 = tpu.memref_slice %arg4[%add3A, %dma_start3A, %dma_start3A_12] : memref<32x125x80xi32, #tpu.memory_space<hbm>> -> memref<1x125x80xi32, #tpu.memory_space<hbm>>
      %dma_start3A_14 = tpu.memref_squeeze %dma_start3A_13 : memref<1x125x80xi32, #tpu.memory_space<hbm>> -> memref<125x80xi32, #tpu.memory_space<hbm>>
      %dma_start3A_15 = arith.constant 0 : i32
      %dma_start3A_16 = arith.constant 0 : i32
      %dma_start3A_17 = tpu.memref_slice %arg4[%add3A, %dma_start3A_15, %dma_start3A_16] : memref<32x125x80xi32, #tpu.memory_space<hbm>> -> memref<1x125x80xi32, #tpu.memory_space<hbm>>
      %dma_start3A_18 = tpu.memref_squeeze %dma_start3A_17 : memref<1x125x80xi32, #tpu.memory_space<hbm>> -> memref<125x80xi32, #tpu.memory_space<hbm>>
      tpu.enqueue_dma source(%dma_start3A_18 : memref<125x80xi32, #tpu.memory_space<hbm>>) target(%arg8 : memref<125x80xi32, #tpu.memory_space<vmem>>) target_semaphore(%run_scoped3A : memref<!tpu.dma_semaphore, #tpu.memory_space<semaphore_mem>>)
      %dma_wait3A = arith.constant 0 : i32
      %dma_wait3A_19 = arith.constant 0 : i32
      %dma_wait3A_20 = tpu.memref_slice %arg4[%add3A, %dma_wait3A, %dma_wait3A_19] : memref<32x125x80xi32, #tpu.memory_space<hbm>> -> memref<1x125x80xi32, #tpu.memory_space<hbm>>
      %dma_wait3A_21 = tpu.memref_squeeze %dma_wait3A_20 : memref<1x125x80xi32, #tpu.memory_space<hbm>> -> memref<125x80xi32, #tpu.memory_space<hbm>>
      %dma_wait3A_22 = arith.constant 0 : i32
      %dma_wait3A_23 = arith.constant 0 : i32
      %dma_wait3A_24 = tpu.memref_slice %arg4[%add3A, %dma_wait3A_22, %dma_wait3A_23] : memref<32x125x80xi32, #tpu.memory_space<hbm>> -> memref<1x125x80xi32, #tpu.memory_space<hbm>>
      %dma_wait3A_25 = tpu.memref_squeeze %dma_wait3A_24 : memref<1x125x80xi32, #tpu.memory_space<hbm>> -> memref<125x80xi32, #tpu.memory_space<hbm>>
      tpu.wait_dma2 semaphore(%run_scoped3A : memref<!tpu.dma_semaphore, #tpu.memory_space<semaphore_mem>>) src(%dma_wait3A_25 : memref<125x80xi32, #tpu.memory_space<hbm>>) dst(%arg8 : memref<125x80xi32, #tpu.memory_space<vmem>>)
      tpu.yield
    }) : () -> ()
    "tpu.region"() ({
      %run_scoped3A = tpu.sem_alloc : memref<!tpu.dma_semaphore, #tpu.memory_space<semaphore_mem>>
      tpu.enqueue_dma source(%arg2 : memref<10240x8xf32, #tpu.memory_space<hbm>>) target(%arg9 : memref<10240x8xf32, #tpu.memory_space<vmem>>) target_semaphore(%run_scoped3A : memref<!tpu.dma_semaphore, #tpu.memory_space<semaphore_mem>>)
      tpu.wait_dma2 semaphore(%run_scoped3A : memref<!tpu.dma_semaphore, #tpu.memory_space<semaphore_mem>>) src(%arg2 : memref<10240x8xf32, #tpu.memory_space<hbm>>) dst(%arg9 : memref<10240x8xf32, #tpu.memory_space<vmem>>)
      tpu.yield
    }) : () -> ()
    %mul3A_1 = arith.constant 640 : i32
    %mul3A_2 = arith.muli %arg1, %mul3A_1 : i32
    "tpu.region"() ({
      %run_scoped3A = tpu.sem_alloc : memref<!tpu.dma_semaphore, #tpu.memory_space<semaphore_mem>>
      %dma_start3A = arith.constant 0 : i32
      %dma_start3A_12 = tpu.memref_slice %arg11[%mul3A_2, %dma_start3A] : memref<10240x16xf32, #tpu.memory_space<vmem_shared>> -> memref<640x16xf32, #tpu.memory_space<vmem_shared>>
      %dma_start3A_13 = arith.constant 0 : i32
      %dma_start3A_14 = tpu.memref_slice %arg5[%mul3A_2, %dma_start3A_13] : memref<10240x16xf32, #tpu.memory_space<hbm>> -> memref<640x16xf32, #tpu.memory_space<hbm>>
      tpu.enqueue_dma source(%dma_start3A_14 : memref<640x16xf32, #tpu.memory_space<hbm>>) target(%dma_start3A_12 : memref<640x16xf32, #tpu.memory_space<vmem_shared>>) target_semaphore(%run_scoped3A : memref<!tpu.dma_semaphore, #tpu.memory_space<semaphore_mem>>)
      %dma_wait3A = arith.constant 0 : i32
      %dma_wait3A_15 = tpu.memref_slice %arg11[%mul3A_2, %dma_wait3A] : memref<10240x16xf32, #tpu.memory_space<vmem_shared>> -> memref<640x16xf32, #tpu.memory_space<vmem_shared>>
      %dma_wait3A_16 = arith.constant 0 : i32
      %dma_wait3A_17 = tpu.memref_slice %arg5[%mul3A_2, %dma_wait3A_16] : memref<10240x16xf32, #tpu.memory_space<hbm>> -> memref<640x16xf32, #tpu.memory_space<hbm>>
      tpu.wait_dma2 semaphore(%run_scoped3A : memref<!tpu.dma_semaphore, #tpu.memory_space<semaphore_mem>>) src(%dma_wait3A_17 : memref<640x16xf32, #tpu.memory_space<hbm>>) dst(%dma_wait3A_15 : memref<640x16xf32, #tpu.memory_space<vmem_shared>>)
      tpu.yield
    }) : () -> ()
    "tpu.region"() ({
      %run_scoped3A = tpu.sem_alloc : memref<!tpu.dma_semaphore, #tpu.memory_space<semaphore_mem>>
      %dma_start3A = arith.constant 0 : i32
      %dma_start3A_12 = arith.constant 0 : i32
      %dma_start3A_13 = tpu.memref_slice %arg5[%dma_start3A, %dma_start3A_12] : memref<10240x16xf32, #tpu.memory_space<hbm>> -> memref<80x16xf32, #tpu.memory_space<hbm>>
      %dma_start3A_14 = arith.constant 0 : i32
      %dma_start3A_15 = arith.constant 0 : i32
      %dma_start3A_16 = tpu.memref_slice %arg5[%dma_start3A_14, %dma_start3A_15] : memref<10240x16xf32, #tpu.memory_space<hbm>> -> memref<80x16xf32, #tpu.memory_space<hbm>>
      tpu.enqueue_dma source(%dma_start3A_16 : memref<80x16xf32, #tpu.memory_space<hbm>>) target(%arg10 : memref<80x16xf32, #tpu.memory_space<vmem>>) target_semaphore(%run_scoped3A : memref<!tpu.dma_semaphore, #tpu.memory_space<semaphore_mem>>)
      %dma_wait3A = arith.constant 0 : i32
      %dma_wait3A_17 = arith.constant 0 : i32
      %dma_wait3A_18 = tpu.memref_slice %arg5[%dma_wait3A, %dma_wait3A_17] : memref<10240x16xf32, #tpu.memory_space<hbm>> -> memref<80x16xf32, #tpu.memory_space<hbm>>
      %dma_wait3A_19 = arith.constant 0 : i32
      %dma_wait3A_20 = arith.constant 0 : i32
      %dma_wait3A_21 = tpu.memref_slice %arg5[%dma_wait3A_19, %dma_wait3A_20] : memref<10240x16xf32, #tpu.memory_space<hbm>> -> memref<80x16xf32, #tpu.memory_space<hbm>>
      tpu.wait_dma2 semaphore(%run_scoped3A : memref<!tpu.dma_semaphore, #tpu.memory_space<semaphore_mem>>) src(%dma_wait3A_21 : memref<80x16xf32, #tpu.memory_space<hbm>>) dst(%arg10 : memref<80x16xf32, #tpu.memory_space<vmem>>)
      tpu.yield
    }) : () -> ()
    %barrier3A = arith.constant 0 : index
    tpu.barrier barrier_id(%barrier3A)
    %iota3A = tpu.iota {dimensions = array<i32: 0>} : vector<16xi32>
    %broadcast_in_dim3A = arith.constant 0 : i32
    %broadcast_in_dim3A_3 = vector.broadcast %broadcast_in_dim3A : i32 to vector<16xi32>
    %add3A_4 = arith.constant 1 : i32
    %add3A_5 = vector.broadcast %add3A_4 : i32 to vector<16xi32>
    %add3A_6 = arith.addi %broadcast_in_dim3A_3, %add3A_5 : vector<16xi32>
    %scan3A = arith.constant 0 : i32
    %scan3A_7 = arith.constant 125 : i32
    %scan3A_8 = arith.addi %scan3A, %scan3A_7 : i32
    %scan3A_9 = arith.constant 1 : i32
    scf.for %scan3A_12 = %scan3A to %scan3A_8 step %scan3A_9  : i32 {
      %mul3A_13 = arith.constant 1 : i32
      %mul3A_14 = arith.muli %scan3A_12, %mul3A_13 : i32
      %add3A_15 = arith.constant 0 : i32
      %add3A_16 = arith.addi %add3A_15, %mul3A_14 : i32
      %scan3A_17 = arith.constant 0 : i32
      %scan3A_18 = arith.constant 5 : i32
      %scan3A_19 = arith.addi %scan3A_17, %scan3A_18 : i32
      %scan3A_20 = arith.constant 1 : i32
      scf.for %scan3A_22 = %scan3A_17 to %scan3A_19 step %scan3A_20  : i32 {
        %mul3A_23 = arith.constant 1 : i32
        %mul3A_24 = arith.muli %scan3A_22, %mul3A_23 : i32
        %add3A_25 = arith.constant 0 : i32
        %add3A_26 = arith.addi %add3A_25, %mul3A_24 : i32
        %mul3A_27 = arith.constant 16 : i32
        %mul3A_28 = arith.muli %add3A_26, %mul3A_27 : i32
        %get3A = arith.index_cast %add3A_16 : i32 to index
        %get3A_29 = arith.index_cast %mul3A_28 : i32 to index
        %get3A_30 = tpu.vector_load %arg7[%get3A, %get3A_29] {strides = array<i32>} : memref<125x80xi32, #tpu.memory_space<vmem>>, vector<16xi32>,
        %mul3A_31 = arith.constant 16 : i32
        %mul3A_32 = arith.muli %add3A_26, %mul3A_31 : i32
        %get3A_33 = arith.index_cast %add3A_16 : i32 to index
        %get3A_34 = arith.index_cast %mul3A_32 : i32 to index
        %get3A_35 = tpu.vector_load %arg8[%get3A_33, %get3A_34] {strides = array<i32>} : memref<125x80xi32, #tpu.memory_space<vmem>>, vector<16xi32>,
        %gather3A = tpu.vector_load_idx %arg9[%get3A_30, %broadcast_in_dim3A_3] : memref<10240x8xf32, #tpu.memory_space<vmem>>[vector<16xi32>, vector<16xi32>], vector<16xf32>,
        %gather3A_36 = tpu.vector_load_idx %arg9[%get3A_35, %add3A_6] : memref<10240x8xf32, #tpu.memory_space<vmem>>[vector<16xi32>, vector<16xi32>], vector<16xf32>,
        %add3A_37 = arith.addf %gather3A, %gather3A_36 : vector<16xf32>
        %max3A = arith.constant 0.000000e+00 : f32
        %max3A_38 = vector.broadcast %max3A : f32 to vector<16xf32>
        %max3A_39 = arith.maximumf %add3A_37, %max3A_38 : vector<16xf32>
        %min3A = arith.constant 0.000000e+00 : f32
        %min3A_40 = vector.broadcast %min3A : f32 to vector<16xf32>
        %min3A_41 = arith.minimumf %add3A_37, %min3A_40 : vector<16xf32>
        %mul3A_42 = arith.constant 2.000000e-01 : f32
        %mul3A_43 = vector.broadcast %mul3A_42 : f32 to vector<16xf32>
        %mul3A_44 = arith.mulf %mul3A_43, %min3A_41 : vector<16xf32>
        %add3A_45 = arith.addf %max3A_39, %mul3A_44 : vector<16xf32>
        %exp3A = math.exp %add3A_45 : vector<16xf32>
        %mul3A_46 = arith.constant 16 : i32
        %mul3A_47 = arith.muli %add3A_26, %mul3A_46 : i32
        %add3A_48 = vector.broadcast %mul3A_47 : i32 to vector<16xi32>
        %add3A_49 = arith.addi %add3A_48, %iota3A : vector<16xi32>
        tpu.vector_store_idx %arg10[%add3A_49, %broadcast_in_dim3A_3], %exp3A : memref<80x16xf32, #tpu.memory_space<vmem>>[vector<16xi32>, vector<16xi32>], vector<16xf32>,
      }
      %scan3A_21 = arith.constant 5 : i32
      "tpu.region"() ({
        %run_scoped3A = tpu.sem_alloc : memref<!tpu.dma_semaphore, #tpu.memory_space<semaphore_mem>>
        %dma_start3A = arith.constant 0 : i32
        %dma_start3A_22 = tpu.memref_slice %arg8[%add3A_16, %dma_start3A] : memref<125x80xi32, #tpu.memory_space<vmem>> -> memref<1x80xi32, #tpu.memory_space<vmem>>
        %dma_start3A_23 = tpu.memref_squeeze %dma_start3A_22 : memref<1x80xi32, #tpu.memory_space<vmem>> -> memref<80xi32, #tpu.memory_space<vmem>>
        %dma_start3A_24 = arith.constant 0 : i32
        %dma_start3A_25 = arith.constant 0 : i32
        %dma_start3A_26 = tpu.memref_slice %arg11[%dma_start3A_24, %dma_start3A_25] : memref<10240x16xf32, #tpu.memory_space<vmem_shared>> -> memref<10240x16xf32, #tpu.memory_space<vmem_shared>>
        tpu.enqueue_indirect_dma source(%arg10 : memref<80x16xf32, #tpu.memory_space<vmem>>) target(%dma_start3A_26 : memref<10240x16xf32, #tpu.memory_space<vmem_shared>>) offsets(%dma_start3A_23 : memref<80xi32, #tpu.memory_space<vmem>>) semaphore(%run_scoped3A : memref<!tpu.dma_semaphore, #tpu.memory_space<semaphore_mem>>) {add = true}
        %dma_wait3A = arith.constant 0 : i32
        %dma_wait3A_27 = tpu.memref_slice %arg8[%add3A_16, %dma_wait3A] : memref<125x80xi32, #tpu.memory_space<vmem>> -> memref<1x80xi32, #tpu.memory_space<vmem>>
        %dma_wait3A_28 = tpu.memref_squeeze %dma_wait3A_27 : memref<1x80xi32, #tpu.memory_space<vmem>> -> memref<80xi32, #tpu.memory_space<vmem>>
        %dma_wait3A_29 = arith.constant 0 : i32
        %dma_wait3A_30 = arith.constant 0 : i32
        %dma_wait3A_31 = tpu.memref_slice %arg11[%dma_wait3A_29, %dma_wait3A_30] : memref<10240x16xf32, #tpu.memory_space<vmem_shared>> -> memref<10240x16xf32, #tpu.memory_space<vmem_shared>>
        tpu.wait_indirect_dma semaphore(%run_scoped3A : memref<!tpu.dma_semaphore, #tpu.memory_space<semaphore_mem>>) src(%arg10 : memref<80x16xf32, #tpu.memory_space<vmem>>) dst(%dma_wait3A_31 : memref<10240x16xf32, #tpu.memory_space<vmem_shared>>)
        tpu.yield
      }) : () -> ()
    }
    %scan3A_10 = arith.constant 125 : i32
    %barrier3A_11 = arith.constant 0 : index
    tpu.barrier barrier_id(%barrier3A_11)
    "tpu.region"() ({
      %run_scoped3A = tpu.sem_alloc : memref<!tpu.dma_semaphore, #tpu.memory_space<semaphore_mem>>
      %dma_start3A = arith.constant 0 : i32
      %dma_start3A_12 = tpu.memref_slice %arg6[%arg0, %mul3A_2, %dma_start3A] : memref<2x10240x16xf32, #tpu.memory_space<hbm>> -> memref<1x640x16xf32, #tpu.memory_space<hbm>>
      %dma_start3A_13 = tpu.memref_squeeze %dma_start3A_12 : memref<1x640x16xf32, #tpu.memory_space<hbm>> -> memref<640x16xf32, #tpu.memory_space<hbm>>
      %dma_start3A_14 = arith.constant 0 : i32
      %dma_start3A_15 = tpu.memref_slice %arg11[%mul3A_2, %dma_start3A_14] : memref<10240x16xf32, #tpu.memory_space<vmem_shared>> -> memref<640x16xf32, #tpu.memory_space<vmem_shared>>
      tpu.enqueue_dma source(%dma_start3A_15 : memref<640x16xf32, #tpu.memory_space<vmem_shared>>) target(%dma_start3A_13 : memref<640x16xf32, #tpu.memory_space<hbm>>) target_semaphore(%run_scoped3A : memref<!tpu.dma_semaphore, #tpu.memory_space<semaphore_mem>>)
      %dma_wait3A = arith.constant 0 : i32
      %dma_wait3A_16 = tpu.memref_slice %arg6[%arg0, %mul3A_2, %dma_wait3A] : memref<2x10240x16xf32, #tpu.memory_space<hbm>> -> memref<1x640x16xf32, #tpu.memory_space<hbm>>
      %dma_wait3A_17 = tpu.memref_squeeze %dma_wait3A_16 : memref<1x640x16xf32, #tpu.memory_space<hbm>> -> memref<640x16xf32, #tpu.memory_space<hbm>>
      %dma_wait3A_18 = arith.constant 0 : i32
      %dma_wait3A_19 = tpu.memref_slice %arg11[%mul3A_2, %dma_wait3A_18] : memref<10240x16xf32, #tpu.memory_space<vmem_shared>> -> memref<640x16xf32, #tpu.memory_space<vmem_shared>>
      tpu.wait_dma2 semaphore(%run_scoped3A : memref<!tpu.dma_semaphore, #tpu.memory_space<semaphore_mem>>) src(%dma_wait3A_19 : memref<640x16xf32, #tpu.memory_space<vmem_shared>>) dst(%dma_wait3A_17 : memref<640x16xf32, #tpu.memory_space<hbm>>)
      tpu.yield
    }) : () -> ()
    return
  }
}

module attributes {stable_mosaic.version = 14 : i64} {
  func.func @_tc1_body(%arg0: i32, %arg1: memref<2048x128xf32, #tpu.memory_space<vmem>>, %arg2: memref<128x128xf32, #tpu.memory_space<vmem>>, %arg3: memref<128x8xf32, #tpu.memory_space<vmem>>, %arg4: memref<128x8xf32, #tpu.memory_space<vmem>>, %arg5: memref<2048x144xf32, #tpu.memory_space<vmem>>, %arg6: memref<2048x16xf32, #tpu.memory_space<vmem>>, %arg7: memref<2048x16xf32, #tpu.memory_space<vmem>>) attributes {dimension_semantics = [#tpu.dimension_semantics<arbitrary>], iteration_bounds = array<i64: 5>, scalar_prefetch = 0 : i64, scratch_operands = 0 : i64, tpu.core_type = #tpu.core_type<tc>, window_params = [{transform_indices = @transform_0, window_bounds = array<i64: 2048, 128>}, {pipeline_mode = #tpu.pipeline_mode<synchronous>, transform_indices = @transform_1, window_bounds = array<i64: 128, 128>}, {pipeline_mode = #tpu.pipeline_mode<synchronous>, transform_indices = @transform_2, window_bounds = array<i64: 128, 8>}, {pipeline_mode = #tpu.pipeline_mode<synchronous>, transform_indices = @transform_3, window_bounds = array<i64: 128, 8>}, {transform_indices = @transform_4, window_bounds = array<i64: 2048, 144>}, {transform_indices = @transform_5, window_bounds = array<i64: 2048, 16>}, {transform_indices = @transform_6, window_bounds = array<i64: 2048, 16>}]} {
    %get3A = arith.constant 0 : index
    %get3A_0 = arith.constant 0 : index
    %get3A_1 = vector.load %arg1[%get3A, %get3A_0] : memref<2048x128xf32, #tpu.memory_space<vmem>>, vector<2048x128xf32>
    %get3A_2 = arith.constant 0 : index
    %get3A_3 = arith.constant 0 : index
    %get3A_4 = vector.load %arg2[%get3A_2, %get3A_3] : memref<128x128xf32, #tpu.memory_space<vmem>>, vector<128x128xf32>
    %dot_general3A = arith.constant dense<0.000000e+00> : vector<2048x128xf32>
    %dot_general3A_5 = tpu.matmul %get3A_1, %get3A_4, %dot_general3A {dimension_numbers = #tpu.dot_dimension_numbers<[1], [0], [0], [1], [0, 0, 1, 1], [], []>, precision = #tpu.contract_precision<fp32>, transpose_lhs_hint = false} : vector<2048x128xf32>, vector<128x128xf32>, vector<2048x128xf32> -> vector<2048x128xf32>
    %get3A_6 = arith.constant 0 : index
    %get3A_7 = arith.constant 0 : index
    %get3A_8 = vector.load %arg3[%get3A_6, %get3A_7] : memref<128x8xf32, #tpu.memory_space<vmem>>, vector<128x8xf32>
    %dot_general3A_9 = arith.constant dense<0.000000e+00> : vector<2048x8xf32>
    %dot_general3A_10 = tpu.matmul %dot_general3A_5, %get3A_8, %dot_general3A_9 {dimension_numbers = #tpu.dot_dimension_numbers<[1], [0], [0], [1], [0, 0, 1, 1], [], []>, precision = #tpu.contract_precision<fp32>, transpose_lhs_hint = false} : vector<2048x128xf32>, vector<128x8xf32>, vector<2048x8xf32> -> vector<2048x8xf32>
    %get3A_11 = arith.constant 0 : index
    %get3A_12 = arith.constant 0 : index
    %get3A_13 = vector.load %arg4[%get3A_11, %get3A_12] : memref<128x8xf32, #tpu.memory_space<vmem>>, vector<128x8xf32>
    %dot_general3A_14 = arith.constant dense<0.000000e+00> : vector<2048x8xf32>
    %dot_general3A_15 = tpu.matmul %dot_general3A_5, %get3A_13, %dot_general3A_14 {dimension_numbers = #tpu.dot_dimension_numbers<[1], [0], [0], [1], [0, 0, 1, 1], [], []>, precision = #tpu.contract_precision<fp32>, transpose_lhs_hint = false} : vector<2048x128xf32>, vector<128x8xf32>, vector<2048x8xf32> -> vector<2048x8xf32>
    %broadcast_in_dim3A = arith.constant 0.000000e+00 : f32
    %broadcast_in_dim3A_16 = vector.broadcast %broadcast_in_dim3A : f32 to vector<2048x8xf32>
    %concatenate3A = tpu.concatenate %dot_general3A_5, %dot_general3A_10, %broadcast_in_dim3A_16 in 1 : vector<2048x128xf32>, vector<2048x8xf32>, vector<2048x8xf32> -> vector<2048x144xf32>
    %swap3A = arith.constant 0 : index
    %swap3A_17 = arith.constant 0 : index
    %swap3A_18 = vector.load %arg5[%swap3A, %swap3A_17] : memref<2048x144xf32, #tpu.memory_space<vmem>>, vector<2048x144xf32>
    tpu.vector_store %arg5[%swap3A, %swap3A_17], %concatenate3A {strides = array<i32>} : memref<2048x144xf32, #tpu.memory_space<vmem>>, vector<2048x144xf32>,
    %concatenate3A_19 = tpu.concatenate %dot_general3A_10, %broadcast_in_dim3A_16 in 1 : vector<2048x8xf32>, vector<2048x8xf32> -> vector<2048x16xf32>
    %swap3A_20 = arith.constant 0 : index
    %swap3A_21 = arith.constant 0 : index
    %swap3A_22 = vector.load %arg6[%swap3A_20, %swap3A_21] : memref<2048x16xf32, #tpu.memory_space<vmem>>, vector<2048x16xf32>
    tpu.vector_store %arg6[%swap3A_20, %swap3A_21], %concatenate3A_19 {strides = array<i32>} : memref<2048x16xf32, #tpu.memory_space<vmem>>, vector<2048x16xf32>,
    %concatenate3A_23 = tpu.concatenate %dot_general3A_15, %broadcast_in_dim3A_16 in 1 : vector<2048x8xf32>, vector<2048x8xf32> -> vector<2048x16xf32>
    %swap3A_24 = arith.constant 0 : index
    %swap3A_25 = arith.constant 0 : index
    %swap3A_26 = vector.load %arg7[%swap3A_24, %swap3A_25] : memref<2048x16xf32, #tpu.memory_space<vmem>>, vector<2048x16xf32>
    tpu.vector_store %arg7[%swap3A_24, %swap3A_25], %concatenate3A_23 {strides = array<i32>} : memref<2048x16xf32, #tpu.memory_space<vmem>>, vector<2048x16xf32>,
    return
  }
  func.func @transform_0(%arg0: i32) -> (i32, i32) {
    %c0_i32 = arith.constant 0 : i32
    %c0_i32_0 = arith.constant 0 : i32
    return %arg0, %c0_i32 : i32, i32
  }
  func.func @transform_1(%arg0: i32) -> (i32, i32) {
    %c0_i32 = arith.constant 0 : i32
    %c0_i32_0 = arith.constant 0 : i32
    %c0_i32_1 = arith.constant 0 : i32
    return %c0_i32, %c0_i32_0 : i32, i32
  }
  func.func @transform_2(%arg0: i32) -> (i32, i32) {
    %c0_i32 = arith.constant 0 : i32
    %c0_i32_0 = arith.constant 0 : i32
    %c0_i32_1 = arith.constant 0 : i32
    return %c0_i32, %c0_i32_0 : i32, i32
  }
  func.func @transform_3(%arg0: i32) -> (i32, i32) {
    %c0_i32 = arith.constant 0 : i32
    %c0_i32_0 = arith.constant 0 : i32
    %c0_i32_1 = arith.constant 0 : i32
    return %c0_i32, %c0_i32_0 : i32, i32
  }
  func.func @transform_4(%arg0: i32) -> (i32, i32) {
    %c0_i32 = arith.constant 0 : i32
    %c0_i32_0 = arith.constant 0 : i32
    return %arg0, %c0_i32 : i32, i32
  }
  func.func @transform_5(%arg0: i32) -> (i32, i32) {
    %c0_i32 = arith.constant 0 : i32
    %c0_i32_0 = arith.constant 0 : i32
    return %arg0, %c0_i32 : i32, i32
  }
  func.func @transform_6(%arg0: i32) -> (i32, i32) {
    %c0_i32 = arith.constant 0 : i32
    %c0_i32_0 = arith.constant 0 : i32
    return %arg0, %c0_i32 : i32, i32
  }
}

module attributes {stable_mosaic.version = 14 : i64} {
  func.func @_tc2_body(%arg0: i32, %arg1: memref<2048x128xf32, #tpu.memory_space<vmem>>, %arg2: memref<128x1xf32, #tpu.memory_space<vmem>>, %arg3: memref<1x1xf32, #tpu.memory_space<vmem>>, %arg4: memref<1x1xf32, #tpu.memory_space<vmem>>, %arg5: memref<2048x8xf32, #tpu.memory_space<vmem>>) attributes {dimension_semantics = [#tpu.dimension_semantics<arbitrary>], iteration_bounds = array<i64: 5>, scalar_prefetch = 0 : i64, scratch_operands = 0 : i64, tpu.core_type = #tpu.core_type<tc>, window_params = [{transform_indices = @transform_0, window_bounds = array<i64: 2048, 128>}, {pipeline_mode = #tpu.pipeline_mode<synchronous>, transform_indices = @transform_1, window_bounds = array<i64: 128, 1>}, {pipeline_mode = #tpu.pipeline_mode<synchronous>, transform_indices = @transform_2, window_bounds = array<i64: 1, 1>}, {pipeline_mode = #tpu.pipeline_mode<synchronous>, transform_indices = @transform_3, window_bounds = array<i64: 1, 1>}, {transform_indices = @transform_4, window_bounds = array<i64: 2048, 8>}]} {
    %get3A = arith.constant 0 : index
    %get3A_0 = arith.constant 0 : index
    %get3A_1 = vector.load %arg1[%get3A, %get3A_0] : memref<2048x128xf32, #tpu.memory_space<vmem>>, vector<2048x128xf32>
    %get3A_2 = arith.constant 0 : index
    %get3A_3 = arith.constant 0 : index
    %get3A_4 = vector.load %arg2[%get3A_2, %get3A_3] : memref<128x1xf32, #tpu.memory_space<vmem>>, vector<128x1xf32>
    %dot_general3A = arith.constant dense<0.000000e+00> : vector<2048x1xf32>
    %dot_general3A_5 = tpu.matmul %get3A_1, %get3A_4, %dot_general3A {dimension_numbers = #tpu.dot_dimension_numbers<[1], [0], [0], [1], [0, 0, 1, 1], [], []>, precision = #tpu.contract_precision<fp32>, transpose_lhs_hint = false} : vector<2048x128xf32>, vector<128x1xf32>, vector<2048x1xf32> -> vector<2048x1xf32>
    %get3A_6 = arith.constant 0 : index
    %get3A_7 = arith.constant 0 : index
    %get3A_8 = vector.load %arg3[%get3A_6, %get3A_7] : memref<1x1xf32, #tpu.memory_space<vmem>>, vector<1x1xf32>
    %get3A_9 = vector.extract %get3A_8[0, 0] : f32 from vector<1x1xf32>
    %get3A_10 = arith.constant 0 : index
    %get3A_11 = arith.constant 0 : index
    %get3A_12 = vector.load %arg4[%get3A_10, %get3A_11] : memref<1x1xf32, #tpu.memory_space<vmem>>, vector<1x1xf32>
    %get3A_13 = vector.extract %get3A_12[0, 0] : f32 from vector<1x1xf32>
    %broadcast_in_dim3A = arith.constant 0.000000e+00 : f32
    %broadcast_in_dim3A_14 = vector.broadcast %broadcast_in_dim3A : f32 to vector<2048x5xf32>
    %mul3A = vector.broadcast %get3A_9 : f32 to vector<2048x1xf32>
    %mul3A_15 = arith.mulf %dot_general3A_5, %mul3A : vector<2048x1xf32>
    %mul3A_16 = vector.broadcast %get3A_13 : f32 to vector<2048x1xf32>
    %mul3A_17 = arith.mulf %dot_general3A_5, %mul3A_16 : vector<2048x1xf32>
    %concatenate3A = tpu.concatenate %mul3A_15, %mul3A_17, %dot_general3A_5, %broadcast_in_dim3A_14 in 1 : vector<2048x1xf32>, vector<2048x1xf32>, vector<2048x1xf32>, vector<2048x5xf32> -> vector<2048x8xf32>
    %swap3A = arith.constant 0 : index
    %swap3A_18 = arith.constant 0 : index
    %swap3A_19 = vector.load %arg5[%swap3A, %swap3A_18] : memref<2048x8xf32, #tpu.memory_space<vmem>>, vector<2048x8xf32>
    tpu.vector_store %arg5[%swap3A, %swap3A_18], %concatenate3A {strides = array<i32>} : memref<2048x8xf32, #tpu.memory_space<vmem>>, vector<2048x8xf32>,
    return
  }
  func.func @transform_0(%arg0: i32) -> (i32, i32) {
    %c0_i32 = arith.constant 0 : i32
    %c0_i32_0 = arith.constant 0 : i32
    return %arg0, %c0_i32 : i32, i32
  }
  func.func @transform_1(%arg0: i32) -> (i32, i32) {
    %c0_i32 = arith.constant 0 : i32
    %c0_i32_0 = arith.constant 0 : i32
    %c0_i32_1 = arith.constant 0 : i32
    return %c0_i32, %c0_i32_0 : i32, i32
  }
  func.func @transform_2(%arg0: i32) -> (i32, i32) {
    %c0_i32 = arith.constant 0 : i32
    %c0_i32_0 = arith.constant 0 : i32
    %c0_i32_1 = arith.constant 0 : i32
    return %c0_i32, %c0_i32_0 : i32, i32
  }
  func.func @transform_3(%arg0: i32) -> (i32, i32) {
    %c0_i32 = arith.constant 0 : i32
    %c0_i32_0 = arith.constant 0 : i32
    %c0_i32_1 = arith.constant 0 : i32
    return %c0_i32, %c0_i32_0 : i32, i32
  }
  func.func @transform_4(%arg0: i32) -> (i32, i32) {
    %c0_i32 = arith.constant 0 : i32
    %c0_i32_0 = arith.constant 0 : i32
    return %arg0, %c0_i32 : i32, i32
  }
}

</mosaic_0001>

<sc_bundles>
// kernel: kernel.11.cloned.1.call-start
scs
__scs_entry_jumppad:
0x0: {  	(pc) =	sbr.rel $0x88, $3  }
0x1: {  	(tag) =	ssettag $0x0;
	lr =	simm.s32 $0x1  }
0x2: {  	[smem:$0x3F97] =	sst lr;
	_ =	strace $0xD0000000  }
0x3: {  	_ = 	snop  }
0x4: {  	_ = 	snop  }
0x5: {  	_ = 	snop  }
0x6: {  	_ = 	snop  }
0x7: {  	_ = 	snop  }
__scs_overlays_trampoline_lowered:
0x8: {  	[smem:$0x3FA6] =	sst s0  }
0x9: {  	[smem:$0x3FA7] =	sst s1  }
0xa: {  	[smem:$0x3FA8] =	sst s2  }
0xb: {  	[smem:$0x3FA9] =	sst s3  }
0xc: {  	[smem:$0x3FAA] =	sst s4  }
0xd: {  	[smem:$0x3FAB] =	sst s5  }
0xe: {  	[smem:$0x3FAC] =	sst s6  }
0xf: {  	[smem:$0x3FAD] =	sst s7  }
0x10: {  	[smem:$0x3FAE] =	sst s8  }
0x11: {  	[smem:$0x3FAF] =	sst s9;
	s0 =	simm.s32 @!p0 $0x0  }
0x12: {  	s1 =	sld [smem:$0x3F95];
	s0 =	simm.s32 @p0 $0x1  }
0x13: {  	[smem:$0x3FB0] =	sst s0;
	s0 =	simm.s32 @!p1 $0x0  }
0x14: {  	s2 =	sld [smem:$0x3F94];
	s0 =	simm.s32 @p1 $0x1  }
0x15: {  	[smem:$0x3FB1] =	sst s0;
	s0 =	simm.s32 @!p2 $0x0  }
0x16: {  	s3 =	sld [smem:$0x3FDB];
	s0 =	simm.s32 @p2 $0x1  }
0x17: {  	s4 =	simm.s32 $0x1BF5;
	[smem:$0x3FB3] =	sst s0  }
0x18: {  	s0 =	sld [smem:$0x3F96];
	_ =	swait.ge [sflag:s4], $0x0  }
0x19: {  	s7 =	sld [smem:$0x3F97]  }
0x1a: {  	s8 =	sadd.s32 $0xFFFFE003, lr  }
0x1b: {  	s9 =	sadd.s32 $0xFFFFFEF7, lr;
	s5 =	simm.s32 $0xFFFFFFFF;
	p2 =	slt.u32 s8, $0xFFFFF086  }
0x1c: {  	p1 =	slt.u32 s9, $0xF7A;
	s5 =	simm.s32 @!p2 $0x0  }
0x1d: {  	s5 =	simm.s32 @p1 $0x1;
	p0 =	seq.s32 s7, s2  }
0x1e: {  	s7 =	smul.u32 @!p0 $0xF7A, s2;
	p2 =	seq.s32 @!p0 s5, $0x0  }
0x1f: {  	s9 =	smul.u32 $0xF7A, s1;
	s8 =	simm.s32 @!p0 $0x1BF5;
	p2 =	por !p2, p0  }
0x20: {  	[sflag:s8] =	ssyncset.s32 @!p0 $0xFFFFF086;
	s6 =	sadd.s32 @!p0 s3, s7;
	s7 =	simm.s32 @!p0 $0x108  }
0x21: {  	s3 =	sadd.s32 s3, s9;
	s6 =	sadd.s32 @!p0 $0x88, s6;
	s7 =	simm.s32 @p2 $0x1082  }
0x22: {  	[simem:s7], [sflag:s8] =	dma.local @!p0 [hbm:s6], $0xF7A  }
0x23: {  	s9 =	sor.u32 $0xD0000000, s2;
	s6 =	simm.s32 $0x108;
	_ =	swait.ge @!p0 [sflag:s8], $0x0  }
0x24: {  	s3 =	sadd.s32 $0x88, s3;
	s6 =	simm.s32 @!p1 $0x1082;
	[sflag:s4] =	ssyncset.s32 $0xFFFFF086  }
0x25: {  	[simem:s6], [sflag:s4] =	dma.local [hbm:s3], $0xF7A  }
0x26: {  	[smem:$0x3F97] =	sst s1;
	(tag) =	ssettag s2;
	_ =	strace s9  }
0x27: {  	s1 =	sld [smem:$0x3FA7]  }
0x28: {  	s2 =	sld [smem:$0x3FA8]  }
0x29: {  	s4 =	sld [smem:$0x3FAA]  }
0x2a: {  	p0 =	seq.s32 s5, $0x0;
	s5 =	sld [smem:$0x3FAB]  }
0x2b: {  	s6 =	sld [smem:$0x3FAC]  }
0x2c: {  	s7 =	sld [smem:$0x3FAD]  }
0x2d: {  	s3 =	simm.s32 $0x108;
	s8 =	sld [smem:$0x3FAE]  }
0x2e: {  	s3 =	simm.s32 @!p0 $0x1082;
	s9 =	sld [smem:$0x3FAF]  }
0x2f: {  	lr =	sadd.s32 s0, s3;
	s0 =	sld [smem:$0x3FA6]  }
0x30: {  	s3 =	sld [smem:$0x3FA9]  }
0x31: {  	[smem:$0x3FB2] =	sst s10  }
0x32: {  	s10 =	sld [smem:$0x3FB0];
	_ =	sdelay $0x3  }
0x33: {  	p0 =	seq.s32 s10, $0x1;
	s10 =	sld [smem:$0x3FB2];
	_ =	sdelay $0x3  }
0x34: {  	[smem:$0x3FB2] =	sst s10  }
0x35: {  	s10 =	sld [smem:$0x3FB1];
	_ =	sdelay $0x3  }
0x36: {  	p1 =	seq.s32 s10, $0x1;
	s10 =	sld [smem:$0x3FB2];
	_ =	sdelay $0x3  }
0x37: {  	[smem:$0x3FB2] =	sst s10  }
0x38: {  	s10 =	sld [smem:$0x3FB3]  }
0x39: {  	_ = 	snop;
	(pc) =	sbr.ind lr, $3  }
0x3a: {  	_ = 	snop  }
0x3b: {  	_ = 	snop  }
0x3c: {  	p2 =	seq.s32 s10, $0x1;
	s10 =	sld [smem:$0x3FB2]  }
0x3d: {  	_ =	shalt  }
0x3e: {  	_ =	shalt  }
0x3f: {  	_ =	shalt  }
0x40: {  	_ =	shalt  }
0x41: {  	_ =	shalt  }
0x42: {  	_ =	shalt  }
0x43: {  	_ =	shalt  }
0x44: {  	_ =	shalt  }
0x45: {  	_ =	shalt  }
0x46: {  	_ =	shalt  }
0x47: {  	_ =	shalt  }
0x48: {  	_ =	shalt  }
0x49: {  	_ =	shalt  }
0x4a: {  	_ =	shalt  }
0x4b: {  	_ =	shalt  }
0x4c: {  	_ =	shalt  }
0x4d: {  	_ =	shalt  }
0x4e: {  	_ =	shalt  }
0x4f: {  	_ =	shalt  }
0x50: {  	_ =	shalt  }
0x51: {  	_ =	shalt  }
0x52: {  	_ =	shalt  }
0x53: {  	_ =	shalt  }
0x54: {  	_ =	shalt  }
0x55: {  	_ =	shalt  }
0x56: {  	_ =	shalt  }
0x57: {  	_ =	shalt  }
0x58: {  	_ =	shalt  }
0x59: {  	_ =	shalt  }
0x5a: {  	_ =	shalt  }
0x5b: {  	_ =	shalt  }
0x5c: {  	_ =	shalt  }
0x5d: {  	_ =	shalt  }
0x5e: {  	_ =	shalt  }
0x5f: {  	_ =	shalt  }
0x60: {  	_ =	shalt  }
0x61: {  	_ =	shalt  }
0x62: {  	_ =	shalt  }
0x63: {  	_ =	shalt  }
0x64: {  	_ =	shalt  }
0x65: {  	_ =	shalt  }
0x66: {  	_ =	shalt  }
0x67: {  	_ =	shalt  }
0x68: {  	_ =	shalt  }
0x69: {  	_ =	shalt  }
0x6a: {  	_ =	shalt  }
0x6b: {  	_ =	shalt  }
0x6c: {  	_ =	shalt  }
0x6d: {  	_ =	shalt  }
0x6e: {  	_ =	shalt  }
0x6f: {  	_ =	shalt  }
0x70: {  	_ =	shalt  }
0x71: {  	_ =	shalt  }
0x72: {  	_ =	shalt  }
0x73: {  	_ =	shalt  }
0x74: {  	_ =	shalt  }
0x75: {  	_ =	shalt  }
0x76: {  	_ =	shalt  }
0x77: {  	_ =	shalt  }
0x78: {  	_ =	shalt  }
0x79: {  	_ =	shalt  }
0x7a: {  	_ =	shalt  }
0x7b: {  	_ =	shalt  }
0x7c: {  	_ =	shalt  }
0x7d: {  	_ =	shalt  }
0x7e: {  	_ =	shalt  }
0x7f: {  	_ =	shalt  }
0x80: {  	_ =	shalt  }
0x81: {  	_ =	shalt  }
0x82: {  	_ =	shalt  }
0x83: {  	_ =	shalt  }
0x84: {  	_ =	shalt  }
0x85: {  	_ =	shalt  }
0x86: {  	_ =	shalt  }
0x87: {  	_ =	shalt  }
.Lfunc_end0:
.L_simem_size_0:
called_computation.1_lowered:
.L_overlay_start_0:
0x88: {  	s2 =	sld [smem:$0x3FD9]  }
0x89: {  	s3 =	sld [smem:$0x3FFE];
	_ =	sdelay $0x1  }
0x8a: {  	s1 =	srdreg.scid  }
0x8b: {  	s0 =	sand.u32 $0x1, s1  }
0x8c: {  	s16 =	sshll.u32 s0, $0xA;
	s2 =	sadd.s32 s3, s2  }
0x8d: {  	s2 =	sadd.s32 s2, s16  }
0x8e: {  	[smem:$0x3FBE] =	sst s2  }
0x8f: {  	_ = 	snop  }
0x90: {  	(tm) =	ssettm $0x1  }
0x91: {  	s17 =	sld [smem:$0x3FFB];
	_ =	sdelay $0x3  }
0x92: {  	_ =	strace s17  }
0x93: {  	s2 =	sld [smem:$0x3FFC];
	_ =	sdelay $0x3  }
0x94: {  	_ =	strace s2  }
0x95: {  	s2 =	sld [smem:$0x3FFD];
	_ =	sdelay $0x3  }
0x96: {  	_ =	strace s2  }
0x97: {  	_ =	strace $0x8FFFFFFF  }
0x98: {  	s18 =	sld [smem:$0x3FDB];
	_ =	sdelay $0x1  }
0x99: {  	s19 =	simm.s32 $_scs_section_size  }
0x9a: {  	s4 =	simm.s32 $_size__tile_overlayer_lowered;
	s5 =	simm.s32 $_tile_overlayer_lowered  }
0x9b: {  	s22 =	simm.s32 $0x1BFF;
	s21 =	sshll.u32 s5, $0x1;
	s2 =	sadd.s32 s19, s18  }
0x9c: {  	s6 =	simm.s32 $0x0;
	s20 =	sshll.u32 s4, $0x1;
	s4 =	sadd.s32 s21, s2  }
0x9d: {  	[timem:s6], [sflag:s22] =	dma.local [hbm:s4], s20  }
0x9e: {  	_ =	swait.ge [sflag:s22], s20  }
0x9f: {  	s3 =	ssub.s32 $0x0, s20;
	[sflag:s22] =	ssyncset.done $0x0  }
0xa0: {  	[sflag:s22] =	ssyncadd.s32 s3;
	_ =	sdelay $0x1  }
0xa1: {  	s23 =	simm.s32 $0x1B8B  }
0xa2: {  	_ =	swait.ge [sflag:s23], $0x1  }
0xa3: {  	[sflag:s23] =	ssyncset.done $0x0  }
0xa4: {  	s25 =	simm.s32 $0x1B8E;
	s24 =	sld [smem:$0x3FFE];
	[sflag:s23] =	ssyncadd.s32 $0xFFFFFFFF  }
0xa5: {  	s26 =	simm.s32 $execute0_lowered;
	[smem:$0x3FD2] =	sst s25  }
0xa6: {  	s4 =	sshll.u32 s26, $0x1;
	_ =	strace $0x80000049;
	[dreg:$0x1] =	wrdreg $0xFFFFFFFF  }
0xa7: {  	s28 =	simm.s32 $_size_execute0_lowered;
	s2 =	sadd.s32 s2, s4;
	[dreg:$0x0] =	wrdreg $0x0  }
0xa8: {  	s4 =	sshll.u32 s28, $0x1;
	[dreg:$0x2] =	wrdreg s2  }
0xa9: {  	[dreg:$0x3] =	wrdreg s4  }
0xaa: {  	[dreg:$0x4] =	wrdreg $0xC0  }
0xab: {  	_ =	task [dreg:s6], $0x5FFFF  }
0xac: {  	[dreg:$0x1] =	wrdreg $0xFFFFFFFF  }
0xad: {  	[dreg:$0x0] =	wrdreg $0x60  }
0xae: {  	[dreg:$0x2] =	wrdreg s24  }
0xaf: {  	[dreg:$0x3] =	wrdreg $0xAD200  }
0xb0: {  	[dreg:$0x4] =	wrdreg $0x9  }
0xb1: {  	_ =	task.clear_ibuf [dreg:s6], $0x5FFFF;
	_ =	strace $0x90000049  }
0xb2: {  	s29 =	simm.s32 $0x9;
	_ =	strace $0x8000004B  }
0xb3: {  	_ =	swait.ge [sflag:s29], $0x1  }
0xb4: {  	[sflag:s29] =	ssyncadd.s32 $0xFFFFFFFF  }
0xb5: {  	_ =	strace $0x9000004B  }
0xb6: {  	_ =	sfence  }
0xb7: {  	s30 =	sld [smem:$0x0];
	_ =	sdelay $0x2  }
0xb8: {  	s31 =	sshll.u32 s1, $0xD;
	s1 =	sshrl.u32 s1, $0x2  }
0xb9: {  	s3 =	sand.u32 $0x4000, s31;
	s1 =	sadd.s32 s1, s30  }
0xba: {  	s0 =	sor.u32 s3, s0;
	s1 =	sshll.u32 s1, $0x11  }
0xbb: {  	s0 =	sor.u32 s1, s0  }
0xbc: {  	s0 =	sadd.s32 $0x8F2B, s0  }
0xbd: {  	[sflag:s0] =	ssyncadd.remote.s32 $0x1  }
0xbe: {  	_ =	sfence.sel $0xFFFF  }
0xbf: {  	[dreg:$0x0] =	wrdreg $0xFFFFFFFF;
	(pc) =	sbr.abs _section_cstart, $3  }
0xc0: {  	[dreg:$0x1] =	wrdreg $0xFFFFFFFF  }
0xc1: {  	_ =	task.clear_ibuf [dreg:s6], $0x2FFFF;
	_ =	strace $0x9FFFFFFF  }
0xc2: {  	(tm) =	ssettm $0x7FFFFFFF  }
0xc3: {  	_ =	shalt  }
tec
execute0_lowered:
.L_overlay_start_1:
0x0: {  	(tag) =	ssettag $0x1  }
0x1: {  	s8 =	rddreg [dreg:$0x0]  }
0x2: {  	s0 =	srdreg.scid;
	s2 =	rddreg [dreg:$0x1];
	s3 =	simm.s32 $0x0  }
0x3: {  	s16 =	simm.s32 $0x50;
	s17 =	simm.s32 $0x4E20;
	s18 =	simm.s32 $0x7B20  }
0x4: {  	s19 =	simm.s32 $0x8020;
	s20 =	simm.s32 $0x8520;
	s21 =	simm.s32 $0x0  }
0x5: {  	s7 =	sand.u32 $0x1, s0;
	s0 =	stileid.u32;
	[smem:$0x7FF] =	sst s3  }
0x6: {  	s4 =	sadd.s32 $0x1400, s8;
	s5 =	sadd.s32 $0x51400, s8;
	s10 =	smul.u32 $0x14000, s0  }
0x7: {  	s6 =	sadd.s32 $0x56400, s8;
	s1 =	sshll.u32 s7, $0x4;
	s11 =	smul.u32 $0x140000, s7  }
0x8: {  	s7 =	ssub.s32 $0x2, s7;
	s14 =	sshll.u32 s0, $0x6;
	s1 =	sor.u32 s0, s1  }
0x9: {  	s31 =	sshrl.u32 s7, $0x1;
	s14 =	sor.u32 $0x1C01, s14;
	s9 =	smul.u32 $0x4E2, s1  }
0xa: {  	s1 =	rddreg [dreg:$0x2];
	_ =	strace $0x8000004A;
	s11 =	sadd.s32 s10, s11  }
0xb: {  	s12 =	sshrl.u32 s10, $0x3;
	s13 =	ssub.s32 s7, s31;
	s15 =	sadd.s32 s10, s2  }
0xc: {  	s11 =	sshrl.u32 s11, $0x3;
	s12 =	sadd.s32 s12, s8;
	s9 =	sadd.s32 s9, s8  }
0xd: {  	s15 =	sshrl.u32 s15, $0x3;
	s11 =	sadd.s32 s11, s8;
	s7 =	sadd.s32 $0x65200, s9  }
0xe: {  	s8 =	sadd.s32 $0x5B400, s9;
	s9 =	sadd.s32 $0x74000, s12;
	s10 =	sadd.s32 $0x9C000, s11  }
0xf: {  	s11 =	smax.u32 s13, $0x1;
	s12 =	simm.s32 $0x1;
	s13 =	simm.s32 $0x2710  }
.LBB2_1:
0x10: {  	[tilespmem:s3], [sflag:$0x1] =	stream.linear.gather [hbm4b:s7+s3], $0x2710, $0x38;
	[tilespmem:$0x1ED20] =	vst v63  }
0x11: {  	_ =	swait.ge [sflag:s12], $0x2710  }
0x12: {  	[sflag:s12] =	ssyncset.done $0x0  }
0x13: {  	[sflag:s12] =	ssyncadd.s32 $0xFFFFD8F0  }
0x14: {  	[tilespmem:s13], [sflag:$0x1] =	stream.linear.gather [hbm4b:s8+s3], $0x2710, $0x38;
	[tilespmem:$0x1ED20] =	vst v63  }
0x15: {  	_ =	swait.ge [sflag:s12], $0x2710  }
0x16: {  	[sflag:s12] =	ssyncset.done $0x0  }
0x17: {  	[sflag:s12] =	ssyncadd.s32 $0xFFFFD8F0  }
0x18: {  	[spmem:s15], [sflag:s14] =	dma.local [hbm:s9], $0x2800  }
0x19: {  	_ =	swait.ge [sflag:s12], $0x2800  }
0x1a: {  	[sflag:s12] =	ssyncset.done $0x0  }
0x1b: {  	[sflag:s12] =	ssyncadd.s32 $0xFFFFD800  }
0x1c: {  	s22 =	simm.s32 $0x0;
	[bflag:$0x0] =	sbarrier.arrive $0xFFFF  }
.LBB2_2:
0x1d: {  	s23 =	smul.u32 $0x50, s22;
	_ =	sdelay $0x1  }
0x1e: {  	[tilespmem:s17], [sflag:$0x1] =	stream.indirect.gather [hbm4b:s4+s16], $0x90, s23, s16, $0xb8;
	[tilespmem:$0x1ED20] =	vst v63  }
0x1f: {  	_ =	swait.ge [sflag:s12], $0x2D00  }
0x20: {  	[sflag:s12] =	ssyncset.done $0x0  }
0x21: {  	s23 =	sadd.s32 $0x2710, s23;
	[sflag:s12] =	ssyncadd.s32 $0xFFFFD300  }
0x22: {  	[tilespmem:s18], [sflag:$0x1] =	stream.indirect.gather [hbm4b:s5+s16], $0x10, s23, s16, $0xb8;
	[tilespmem:$0x1ED20] =	vst v63  }
0x23: {  	_ =	swait.ge [sflag:s12], $0x500  }
0x24: {  	[sflag:s12] =	ssyncset.done $0x0  }
0x25: {  	[sflag:s12] =	ssyncadd.s32 $0xFFFFFB00  }
0x26: {  	[tilespmem:s19], [sflag:$0x1] =	stream.indirect.gather [hbm4b:s6+s16], $0x10, s23, s16, $0xb8;
	[tilespmem:$0x1ED20] =	vst v63  }
0x27: {  	_ =	swait.ge [sflag:s12], $0x500  }
0x28: {  	[sflag:s12] =	ssyncset.done $0x0  }
0x29: {  	s25 =	simm.s32 $0x0;
	[sflag:s12] =	ssyncadd.s32 $0xFFFFFB00  }
0x2a: {  	s24 =	simm.s32 $0x4E60;
	v0 =	vld [tilespmem:s25+$0x7B20]  }
0x2b: {  	v1 =	vld [tilespmem:s24+$0x40];
	_ =	sdelay $0x4  }
0x2c: {  	v0 =	vadd.f32 v0, v1  }
0x2d: {  	v1 =	vld [tilespmem:s25+$0x8020]  }
0x2e: {  	v2 =	vmin.f32 v0, $0.0e+00  }
0x2f: {  	v2 =	vmul.f32 $2.000000030e-01, v2  }
0x30: {  	v0 =	vmax.f32 v0, $0.0e+00  }
0x31: {  	v0 =	vadd.f32 v2, v0  }
0x32: {  	v1 =	vadd.f32 $9.999999710e-10, v1  }
0x33: {  	v0 =	vmul.f32 $1.442695020e+00, v0  }
0x34: {  	(erf) = vrcp.f32 v1  }
0x35: {  	(erf) = vpow2.f32 v0;
	_ =	sdelay $0x7  }
0x36: {  	v0 =	vpop (erf)  }
0x37: {  	v1 =	vld [tilespmem:s24+$0xFFFFFFC0];
	v2 =	vpop (erf)  }
0x38: {  	v0 =	vmul.f32 v2, v0;
	_ =	sdelay $0x1  }
0x39: {  	v2 =	vbroadcast v0, $0x0;
	_ =	sdelay $0x1  }
0x3a: {  	v1 =	vmul.f32 v2, v1  }
0x3b: {  	s25 =	simm.s32 $0x8560  }
0x3c: {  	[tilespmem:s25+$0xFFFFFFC0] =	vst v1  }
0x3d: {  	v1 =	vld [tilespmem:s24+$0xFFFFFFD0];
	_ =	sdelay $0x2  }
0x3e: {  	v2 =	vbroadcast v0, $0x1;
	_ =	sdelay $0x1  }
0x3f: {  	v1 =	vmul.f32 v2, v1;
	_ =	sdelay $0x1  }
0x40: {  	[tilespmem:s25+$0xFFFFFFD0] =	vst v1  }
0x41: {  	v1 =	vld [tilespmem:s24+$0xFFFFFFE0];
	_ =	sdelay $0x2  }
0x42: {  	v2 =	vbroadcast v0, $0x2;
	_ =	sdelay $0x1  }
0x43: {  	v1 =	vmul.f32 v2, v1;
	_ =	sdelay $0x1  }
0x44: {  	[tilespmem:s25+$0xFFFFFFE0] =	vst v1  }
0x45: {  	v1 =	vld [tilespmem:s24+$0xFFFFFFF0];
	_ =	sdelay $0x2  }
0x46: {  	v2 =	vbroadcast v0, $0x3;
	_ =	sdelay $0x1  }
0x47: {  	v1 =	vmul.f32 v2, v1;
	_ =	sdelay $0x1  }
0x48: {  	[tilespmem:s25+$0xFFFFFFF0] =	vst v1  }
0x49: {  	v1 =	vld [tilespmem:s24+$0x0];
	_ =	sdelay $0x2  }
0x4a: {  	v2 =	vbroadcast v0, $0x4;
	_ =	sdelay $0x1  }
0x4b: {  	v1 =	vmul.f32 v1, v2;
	_ =	sdelay $0x1  }
0x4c: {  	[tilespmem:s25+$0x0] =	vst v1  }
0x4d: {  	v1 =	vld [tilespmem:s24+$0x10];
	_ =	sdelay $0x2  }
0x4e: {  	v2 =	vbroadcast v0, $0x5;
	_ =	sdelay $0x1  }
0x4f: {  	v1 =	vmul.f32 v1, v2;
	_ =	sdelay $0x1  }
0x50: {  	[tilespmem:s25+$0x10] =	vst v1  }
0x51: {  	v1 =	vld [tilespmem:s24+$0x20];
	_ =	sdelay $0x2  }
0x52: {  	v2 =	vbroadcast v0, $0x6;
	_ =	sdelay $0x1  }
0x53: {  	v1 =	vmul.f32 v1, v2;
	_ =	sdelay $0x1  }
0x54: {  	[tilespmem:s25+$0x20] =	vst v1  }
0x55: {  	v1 =	vld [tilespmem:s24+$0x30];
	_ =	sdelay $0x2  }
0x56: {  	v0 =	vbroadcast v0, $0x7;
	_ =	sdelay $0x1  }
0x57: {  	s26 =	simm.s32 $0x40;
	s28 =	simm.s32 $0x8560;
	v0 =	vmul.f32 v1, v0  }
.LBB2_3:
0x58: {  	p0 =	sne.s32 s26, $0x13C0;
	s25 =	sadd.s32 $0x80, s25;
	s24 =	sadd.s32 $0x90, s24  }
0x59: {  	s29 =	sshra.s32 s26, $0x2;
	s26 =	sadd.s32 $0x40, s26;
	[tilespmem:s28+$0x30] =	vst v0;
	s28 =	smov.u32 s25  }
0x5a: {  	v0 =	vld [tilespmem:s29+$0x7B20]  }
0x5b: {  	v1 =	vld [tilespmem:s24+$0x40];
	_ =	sdelay $0x4  }
0x5c: {  	v0 =	vadd.f32 v0, v1  }
0x5d: {  	v1 =	vld [tilespmem:s29+$0x8020]  }
0x5e: {  	v2 =	vmin.f32 v0, $0.0e+00  }
0x5f: {  	v2 =	vmul.f32 $2.000000030e-01, v2  }
0x60: {  	v0 =	vmax.f32 v0, $0.0e+00  }
0x61: {  	v0 =	vadd.f32 v2, v0  }
0x62: {  	v1 =	vadd.f32 $9.999999710e-10, v1  }
0x63: {  	v0 =	vmul.f32 $1.442695020e+00, v0  }
0x64: {  	(erf) = vrcp.f32 v1  }
0x65: {  	(erf) = vpow2.f32 v0;
	_ =	sdelay $0x7  }
0x66: {  	v0 =	vld [tilespmem:s24+$0xFFFFFFC0];
	v1 =	vpop (erf)  }
0x67: {  	v2 =	vpop (erf)  }
0x68: {  	v1 =	vmul.f32 v2, v1;
	_ =	sdelay $0x1  }
0x69: {  	v2 =	vbroadcast v1, $0x0;
	_ =	sdelay $0x1  }
0x6a: {  	v0 =	vmul.f32 v2, v0;
	_ =	sdelay $0x1  }
0x6b: {  	[tilespmem:s25+$0xFFFFFFC0] =	vst v0  }
0x6c: {  	v0 =	vld [tilespmem:s24+$0xFFFFFFD0];
	_ =	sdelay $0x1  }
0x6d: {  	v2 =	vbroadcast v1, $0x1;
	_ =	sdelay $0x2  }
0x6e: {  	v0 =	vmul.f32 v2, v0;
	_ =	sdelay $0x1  }
0x6f: {  	[tilespmem:s25+$0xFFFFFFD0] =	vst v0  }
0x70: {  	v0 =	vld [tilespmem:s24+$0xFFFFFFE0];
	_ =	sdelay $0x1  }
0x71: {  	v2 =	vbroadcast v1, $0x2;
	_ =	sdelay $0x2  }
0x72: {  	v0 =	vmul.f32 v2, v0;
	_ =	sdelay $0x1  }
0x73: {  	[tilespmem:s25+$0xFFFFFFE0] =	vst v0  }
0x74: {  	v0 =	vld [tilespmem:s24+$0xFFFFFFF0];
	_ =	sdelay $0x1  }
0x75: {  	v2 =	vbroadcast v1, $0x3;
	_ =	sdelay $0x2  }
0x76: {  	v0 =	vmul.f32 v2, v0;
	_ =	sdelay $0x1  }
0x77: {  	[tilespmem:s25+$0xFFFFFFF0] =	vst v0  }
0x78: {  	v0 =	vld [tilespmem:s24+$0x0];
	_ =	sdelay $0x1  }
0x79: {  	v2 =	vbroadcast v1, $0x4;
	_ =	sdelay $0x2  }
0x7a: {  	v0 =	vmul.f32 v0, v2;
	_ =	sdelay $0x1  }
0x7b: {  	[tilespmem:s25+$0x0] =	vst v0  }
0x7c: {  	v0 =	vld [tilespmem:s24+$0x10];
	_ =	sdelay $0x1  }
0x7d: {  	v2 =	vbroadcast v1, $0x5;
	_ =	sdelay $0x2  }
0x7e: {  	v0 =	vmul.f32 v0, v2;
	_ =	sdelay $0x1  }
0x7f: {  	[tilespmem:s25+$0x10] =	vst v0  }
0x80: {  	v0 =	vld [tilespmem:s24+$0x20];
	_ =	sdelay $0x1  }
0x81: {  	v2 =	vbroadcast v1, $0x6;
	_ =	sdelay $0x2  }
0x82: {  	v0 =	vmul.f32 v0, v2;
	_ =	sdelay $0x1  }
0x83: {  	[tilespmem:s25+$0x20] =	vst v0  }
0x84: {  	v0 =	vld [tilespmem:s24+$0x30]  }
.Ltmp0:
0x85: {  	(pc) =	sbr.rel @p0 .LBB2_3-.Ltmp0, $2  }
0x86: {  	v1 =	vbroadcast v1, $0x7;
	_ =	sdelay $0x2  }
0x87: {  	v0 =	vmul.f32 v0, v1  }
0x88: {  	s22 =	sadd.s32 $0x1, s22  }
0x89: {  	p0 =	sne.s32 s22, $0x7D  }
.Ltmp1:
0x8a: {  	[tilespmem:s28+$0x30] =	vst v0;
	(pc) =	sbr.rel @p0 .LBB2_2-.Ltmp1, $4  }
0x8b: {  	[spmem:s2] =	stream.indirect.scatter.add.f32 [tilespmem:s20], [sflag:$0x1], $0x80, s23, s16, $0xb8;
	[tilespmem:$0x1ED20] =	vst v63  }
0x8c: {  	_ =	swait.ge [sflag:s12], $0x2800  }
0x8d: {  	[sflag:s12] =	ssyncset.done $0x0  }
0x8e: {  	[sflag:s12] =	ssyncadd.s32 $0xFFFFD800  }
0x8f: {  	s21 =	sadd.s32 $0x1, s21  }
0x90: {  	p0 =	sne.s32 s21, s11  }
.Ltmp2:
0x91: {  	[bflag:$0x0] =	sbarrier.arrive $0xFFFF;
	(pc) =	sbr.rel @p0 .LBB2_1-.Ltmp2, $4  }
0x92: {  	[hbm:s10], [sflag:s14] =	dma.local [spmem:s15], $0x2800  }
0x93: {  	_ =	swait.ge [sflag:s12], $0x2800  }
0x94: {  	[sflag:s12] =	ssyncset.done $0x0  }
0x95: {  	[sflag:s12] =	ssyncadd.s32 $0xFFFFD800  }
0x96: {  	_ =	sfence.sel $0x180000  }
0x97: {  	[bflag:$0x0] =	sbarrier.arrive $0xFFFF  }
0x98: {  	p0 =	sne.s32 s0, $0x0;
	_ =	strace $0x9000004A  }
0x99: {  	s0 =	sadd.s32 @!p0 $0x100000, s1;
	[bflag:$0x2] =	sbarrier.arrive $0xFFFF  }
0x9a: {  	[sflag:s0] =	ssyncadd.tile.s32 @!p0 $0x1;
	_ =	shalt  }
.Lfunc_end2:
_tile_overlayer_lowered:
.L_overlay_start_2:
0x9b: {  	(tag) =	ssettag $0x2  }
0x9c: {  	s0 =	rddreg [dreg:$0x0];
	s2 =	stileid.u32  }
0x9d: {  	s1 =	rddreg [dreg:$0x1];
	p0 =	sne.s32 s2, $0x0  }
0x9e: {  	s3 =	rddreg [dreg:$0x2];
	[bflag:$0x3] =	sbarrier.arrive $0xFFFF;
	s2 =	simm.s32 @!p0 $0x1C01  }
0x9f: {  	[timem:s3], [sflag:s2] =	dma.local @!p0 [hbm:s0], s1  }
0xa0: {  	s0 =	simm.s32 @!p0 $0x1  }
0xa1: {  	_ =	swait.ge @!p0 [sflag:s0], s1  }
0xa2: {  	s1 =	ssub.s32 @!p0 $0x0, s1;
	[sflag:s0] =	ssyncset.done @!p0 $0x0  }
0xa3: {  	[sflag:s0] =	ssyncadd.s32 @!p0 s1  }
0xa4: {  	[bflag:$0x3] =	sbarrier.arrive $0xFFFF  }
0xa5: {  	_ =	shalt  }

// kernel: kernel.14.cloned.1.call-start
scs
__scs_entry_jumppad:
0x0: {  	(pc) =	sbr.rel $0x88, $3  }
0x1: {  	(tag) =	ssettag $0x0;
	lr =	simm.s32 $0x1  }
0x2: {  	[smem:$0x3F97] =	sst lr;
	_ =	strace $0xD0000000  }
0x3: {  	_ = 	snop  }
0x4: {  	_ = 	snop  }
0x5: {  	_ = 	snop  }
0x6: {  	_ = 	snop  }
0x7: {  	_ = 	snop  }
__scs_overlays_trampoline_lowered:
0x8: {  	[smem:$0x3FA6] =	sst s0  }
0x9: {  	[smem:$0x3FA7] =	sst s1  }
0xa: {  	[smem:$0x3FA8] =	sst s2  }
0xb: {  	[smem:$0x3FA9] =	sst s3  }
0xc: {  	[smem:$0x3FAA] =	sst s4  }
0xd: {  	[smem:$0x3FAB] =	sst s5  }
0xe: {  	[smem:$0x3FAC] =	sst s6  }
0xf: {  	[smem:$0x3FAD] =	sst s7  }
0x10: {  	[smem:$0x3FAE] =	sst s8  }
0x11: {  	[smem:$0x3FAF] =	sst s9;
	s0 =	simm.s32 @!p0 $0x0  }
0x12: {  	s1 =	sld [smem:$0x3F95];
	s0 =	simm.s32 @p0 $0x1  }
0x13: {  	[smem:$0x3FB0] =	sst s0;
	s0 =	simm.s32 @!p1 $0x0  }
0x14: {  	s2 =	sld [smem:$0x3F94];
	s0 =	simm.s32 @p1 $0x1  }
0x15: {  	[smem:$0x3FB1] =	sst s0;
	s0 =	simm.s32 @!p2 $0x0  }
0x16: {  	s3 =	sld [smem:$0x3FDB];
	s0 =	simm.s32 @p2 $0x1  }
0x17: {  	s4 =	simm.s32 $0x1BF5;
	[smem:$0x3FB3] =	sst s0  }
0x18: {  	s0 =	sld [smem:$0x3F96];
	_ =	swait.ge [sflag:s4], $0x0  }
0x19: {  	s7 =	sld [smem:$0x3F97]  }
0x1a: {  	s8 =	sadd.s32 $0xFFFFE003, lr  }
0x1b: {  	s9 =	sadd.s32 $0xFFFFFEF7, lr;
	s5 =	simm.s32 $0xFFFFFFFF;
	p2 =	slt.u32 s8, $0xFFFFF086  }
0x1c: {  	p1 =	slt.u32 s9, $0xF7A;
	s5 =	simm.s32 @!p2 $0x0  }
0x1d: {  	s5 =	simm.s32 @p1 $0x1;
	p0 =	seq.s32 s7, s2  }
0x1e: {  	s7 =	smul.u32 @!p0 $0xF7A, s2;
	p2 =	seq.s32 @!p0 s5, $0x0  }
0x1f: {  	s9 =	smul.u32 $0xF7A, s1;
	s8 =	simm.s32 @!p0 $0x1BF5;
	p2 =	por !p2, p0  }
0x20: {  	[sflag:s8] =	ssyncset.s32 @!p0 $0xFFFFF086;
	s6 =	sadd.s32 @!p0 s3, s7;
	s7 =	simm.s32 @!p0 $0x108  }
0x21: {  	s3 =	sadd.s32 s3, s9;
	s6 =	sadd.s32 @!p0 $0x88, s6;
	s7 =	simm.s32 @p2 $0x1082  }
0x22: {  	[simem:s7], [sflag:s8] =	dma.local @!p0 [hbm:s6], $0xF7A  }
0x23: {  	s9 =	sor.u32 $0xD0000000, s2;
	s6 =	simm.s32 $0x108;
	_ =	swait.ge @!p0 [sflag:s8], $0x0  }
0x24: {  	s3 =	sadd.s32 $0x88, s3;
	s6 =	simm.s32 @!p1 $0x1082;
	[sflag:s4] =	ssyncset.s32 $0xFFFFF086  }
0x25: {  	[simem:s6], [sflag:s4] =	dma.local [hbm:s3], $0xF7A  }
0x26: {  	[smem:$0x3F97] =	sst s1;
	(tag) =	ssettag s2;
	_ =	strace s9  }
0x27: {  	s1 =	sld [smem:$0x3FA7]  }
0x28: {  	s2 =	sld [smem:$0x3FA8]  }
0x29: {  	s4 =	sld [smem:$0x3FAA]  }
0x2a: {  	p0 =	seq.s32 s5, $0x0;
	s5 =	sld [smem:$0x3FAB]  }
0x2b: {  	s6 =	sld [smem:$0x3FAC]  }
0x2c: {  	s7 =	sld [smem:$0x3FAD]  }
0x2d: {  	s3 =	simm.s32 $0x108;
	s8 =	sld [smem:$0x3FAE]  }
0x2e: {  	s3 =	simm.s32 @!p0 $0x1082;
	s9 =	sld [smem:$0x3FAF]  }
0x2f: {  	lr =	sadd.s32 s0, s3;
	s0 =	sld [smem:$0x3FA6]  }
0x30: {  	s3 =	sld [smem:$0x3FA9]  }
0x31: {  	[smem:$0x3FB2] =	sst s10  }
0x32: {  	s10 =	sld [smem:$0x3FB0];
	_ =	sdelay $0x3  }
0x33: {  	p0 =	seq.s32 s10, $0x1;
	s10 =	sld [smem:$0x3FB2];
	_ =	sdelay $0x3  }
0x34: {  	[smem:$0x3FB2] =	sst s10  }
0x35: {  	s10 =	sld [smem:$0x3FB1];
	_ =	sdelay $0x3  }
0x36: {  	p1 =	seq.s32 s10, $0x1;
	s10 =	sld [smem:$0x3FB2];
	_ =	sdelay $0x3  }
0x37: {  	[smem:$0x3FB2] =	sst s10  }
0x38: {  	s10 =	sld [smem:$0x3FB3]  }
0x39: {  	_ = 	snop;
	(pc) =	sbr.ind lr, $3  }
0x3a: {  	_ = 	snop  }
0x3b: {  	_ = 	snop  }
0x3c: {  	p2 =	seq.s32 s10, $0x1;
	s10 =	sld [smem:$0x3FB2]  }
0x3d: {  	_ =	shalt  }
0x3e: {  	_ =	shalt  }
0x3f: {  	_ =	shalt  }
0x40: {  	_ =	shalt  }
0x41: {  	_ =	shalt  }
0x42: {  	_ =	shalt  }
0x43: {  	_ =	shalt  }
0x44: {  	_ =	shalt  }
0x45: {  	_ =	shalt  }
0x46: {  	_ =	shalt  }
0x47: {  	_ =	shalt  }
0x48: {  	_ =	shalt  }
0x49: {  	_ =	shalt  }
0x4a: {  	_ =	shalt  }
0x4b: {  	_ =	shalt  }
0x4c: {  	_ =	shalt  }
0x4d: {  	_ =	shalt  }
0x4e: {  	_ =	shalt  }
0x4f: {  	_ =	shalt  }
0x50: {  	_ =	shalt  }
0x51: {  	_ =	shalt  }
0x52: {  	_ =	shalt  }
0x53: {  	_ =	shalt  }
0x54: {  	_ =	shalt  }
0x55: {  	_ =	shalt  }
0x56: {  	_ =	shalt  }
0x57: {  	_ =	shalt  }
0x58: {  	_ =	shalt  }
0x59: {  	_ =	shalt  }
0x5a: {  	_ =	shalt  }
0x5b: {  	_ =	shalt  }
0x5c: {  	_ =	shalt  }
0x5d: {  	_ =	shalt  }
0x5e: {  	_ =	shalt  }
0x5f: {  	_ =	shalt  }
0x60: {  	_ =	shalt  }
0x61: {  	_ =	shalt  }
0x62: {  	_ =	shalt  }
0x63: {  	_ =	shalt  }
0x64: {  	_ =	shalt  }
0x65: {  	_ =	shalt  }
0x66: {  	_ =	shalt  }
0x67: {  	_ =	shalt  }
0x68: {  	_ =	shalt  }
0x69: {  	_ =	shalt  }
0x6a: {  	_ =	shalt  }
0x6b: {  	_ =	shalt  }
0x6c: {  	_ =	shalt  }
0x6d: {  	_ =	shalt  }
0x6e: {  	_ =	shalt  }
0x6f: {  	_ =	shalt  }
0x70: {  	_ =	shalt  }
0x71: {  	_ =	shalt  }
0x72: {  	_ =	shalt  }
0x73: {  	_ =	shalt  }
0x74: {  	_ =	shalt  }
0x75: {  	_ =	shalt  }
0x76: {  	_ =	shalt  }
0x77: {  	_ =	shalt  }
0x78: {  	_ =	shalt  }
0x79: {  	_ =	shalt  }
0x7a: {  	_ =	shalt  }
0x7b: {  	_ =	shalt  }
0x7c: {  	_ =	shalt  }
0x7d: {  	_ =	shalt  }
0x7e: {  	_ =	shalt  }
0x7f: {  	_ =	shalt  }
0x80: {  	_ =	shalt  }
0x81: {  	_ =	shalt  }
0x82: {  	_ =	shalt  }
0x83: {  	_ =	shalt  }
0x84: {  	_ =	shalt  }
0x85: {  	_ =	shalt  }
0x86: {  	_ =	shalt  }
0x87: {  	_ =	shalt  }
.Lfunc_end0:
.L_simem_size_0:
called_computation.2_lowered:
.L_overlay_start_0:
0x88: {  	s2 =	sld [smem:$0x3FD9]  }
0x89: {  	s3 =	sld [smem:$0x3FFE];
	_ =	sdelay $0x1  }
0x8a: {  	s1 =	srdreg.scid  }
0x8b: {  	s0 =	sand.u32 $0x1, s1  }
0x8c: {  	s16 =	sshll.u32 s0, $0xA;
	s2 =	sadd.s32 s3, s2  }
0x8d: {  	s2 =	sadd.s32 s2, s16  }
0x8e: {  	[smem:$0x3FBE] =	sst s2  }
0x8f: {  	_ = 	snop  }
0x90: {  	(tm) =	ssettm $0x1  }
0x91: {  	s17 =	sld [smem:$0x3FFB];
	_ =	sdelay $0x3  }
0x92: {  	_ =	strace s17  }
0x93: {  	s2 =	sld [smem:$0x3FFC];
	_ =	sdelay $0x3  }
0x94: {  	_ =	strace s2  }
0x95: {  	s2 =	sld [smem:$0x3FFD];
	_ =	sdelay $0x3  }
0x96: {  	_ =	strace s2  }
0x97: {  	_ =	strace $0x8FFFFFFF  }
0x98: {  	s18 =	sld [smem:$0x3FDB];
	_ =	sdelay $0x1  }
0x99: {  	s19 =	simm.s32 $_scs_section_size  }
0x9a: {  	s4 =	simm.s32 $_size__tile_overlayer_lowered;
	s5 =	simm.s32 $_tile_overlayer_lowered  }
0x9b: {  	s22 =	simm.s32 $0x1BFF;
	s21 =	sshll.u32 s5, $0x1;
	s2 =	sadd.s32 s19, s18  }
0x9c: {  	s6 =	simm.s32 $0x0;
	s20 =	sshll.u32 s4, $0x1;
	s4 =	sadd.s32 s21, s2  }
0x9d: {  	[timem:s6], [sflag:s22] =	dma.local [hbm:s4], s20  }
0x9e: {  	_ =	swait.ge [sflag:s22], s20  }
0x9f: {  	s3 =	ssub.s32 $0x0, s20;
	[sflag:s22] =	ssyncset.done $0x0  }
0xa0: {  	[sflag:s22] =	ssyncadd.s32 s3;
	_ =	sdelay $0x1  }
0xa1: {  	s23 =	simm.s32 $0x1B8B  }
0xa2: {  	_ =	swait.ge [sflag:s23], $0x1  }
0xa3: {  	[sflag:s23] =	ssyncset.done $0x0  }
0xa4: {  	s25 =	simm.s32 $0x1B8E;
	s24 =	sld [smem:$0x3FFE];
	[sflag:s23] =	ssyncadd.s32 $0xFFFFFFFF  }
0xa5: {  	s26 =	simm.s32 $execute0_lowered;
	[smem:$0x3FD2] =	sst s25  }
0xa6: {  	s4 =	sshll.u32 s26, $0x1;
	_ =	strace $0x8000004C;
	[dreg:$0x1] =	wrdreg $0xFFFFFFFF  }
0xa7: {  	s28 =	simm.s32 $_size_execute0_lowered;
	s2 =	sadd.s32 s2, s4;
	[dreg:$0x0] =	wrdreg $0x0  }
0xa8: {  	s4 =	sshll.u32 s28, $0x1;
	[dreg:$0x2] =	wrdreg s2  }
0xa9: {  	[dreg:$0x3] =	wrdreg s4  }
0xaa: {  	[dreg:$0x4] =	wrdreg $0xC0  }
0xab: {  	_ =	task [dreg:s6], $0x5FFFF  }
0xac: {  	[dreg:$0x1] =	wrdreg $0xFFFFFFFF  }
0xad: {  	[dreg:$0x0] =	wrdreg $0x60  }
0xae: {  	[dreg:$0x2] =	wrdreg s24  }
0xaf: {  	[dreg:$0x3] =	wrdreg $0x193200  }
0xb0: {  	[dreg:$0x4] =	wrdreg $0x9  }
0xb1: {  	_ =	task.clear_ibuf [dreg:s6], $0x5FFFF;
	_ =	strace $0x9000004C  }
0xb2: {  	s29 =	simm.s32 $0x9;
	_ =	strace $0x8000004E  }
0xb3: {  	_ =	swait.ge [sflag:s29], $0x1  }
0xb4: {  	[sflag:s29] =	ssyncadd.s32 $0xFFFFFFFF  }
0xb5: {  	_ =	strace $0x9000004E  }
0xb6: {  	_ =	sfence  }
0xb7: {  	s30 =	sld [smem:$0x0];
	_ =	sdelay $0x2  }
0xb8: {  	s31 =	sshll.u32 s1, $0xD;
	s1 =	sshrl.u32 s1, $0x2  }
0xb9: {  	s3 =	sand.u32 $0x4000, s31;
	s1 =	sadd.s32 s1, s30  }
0xba: {  	s0 =	sor.u32 s3, s0;
	s1 =	sshll.u32 s1, $0x11  }
0xbb: {  	s0 =	sor.u32 s1, s0  }
0xbc: {  	s0 =	sadd.s32 $0x8F2B, s0  }
0xbd: {  	[sflag:s0] =	ssyncadd.remote.s32 $0x1  }
0xbe: {  	_ =	sfence.sel $0xFFFF  }
0xbf: {  	[dreg:$0x0] =	wrdreg $0xFFFFFFFF;
	(pc) =	sbr.abs _section_cstart, $3  }
0xc0: {  	[dreg:$0x1] =	wrdreg $0xFFFFFFFF  }
0xc1: {  	_ =	task.clear_ibuf [dreg:s6], $0x2FFFF;
	_ =	strace $0x9FFFFFFF  }
0xc2: {  	(tm) =	ssettm $0x7FFFFFFF  }
0xc3: {  	_ =	shalt  }
tec
execute0_lowered:
.L_overlay_start_1:
0x0: {  	(tag) =	ssettag $0x1  }
0x1: {  	s6 =	rddreg [dreg:$0x0]  }
0x2: {  	s2 =	rddreg [dreg:$0x1];
	s3 =	srdreg.scid  }
0x3: {  	s0 =	rddreg [dreg:$0x2];
	s1 =	stileid.u32  }
0x4: {  	s15 =	simm.s32 $0x18E20;
	s16 =	simm.s32 $0x50;
	s17 =	simm.s32 $0x0  }
0x5: {  	s5 =	sand.u32 $0x1, s3;
	s3 =	simm.s32 $0x0;
	s8 =	smul.u32 $0x2800, s1  }
0x6: {  	s13 =	sshll.u32 s1, $0x6;
	s4 =	sshll.u32 s5, $0x4;
	[smem:$0x7FF] =	sst s3  }
0x7: {  	s7 =	smul.u32 $0x28000, s5;
	s10 =	ssub.s32 $0x2, s5;
	s5 =	sadd.s32 $0x6F000, s6  }
0x8: {  	s13 =	sor.u32 $0x1C01, s13;
	s4 =	sor.u32 s1, s4;
	_ =	strace $0x8000004D  }
0x9: {  	s11 =	sshrl.u32 s10, $0x1;
	s31 =	sshrl.u32 s8, $0x3;
	s14 =	sadd.s32 s8, s2  }
0xa: {  	s9 =	smul.u32 $0x4E2, s4;
	s4 =	sadd.s32 $0x1400, s6;
	s7 =	sadd.s32 s8, s7  }
0xb: {  	s10 =	ssub.s32 s10, s11;
	s8 =	sadd.s32 s5, s31;
	s11 =	simm.s32 $0x1  }
0xc: {  	s14 =	sshrl.u32 s14, $0x3;
	s7 =	sshrl.u32 s7, $0x3;
	s9 =	sadd.s32 s9, s6  }
0xd: {  	v0 =	vlaneseq.u32;
	s10 =	smax.u32 s10, $0x1;
	s12 =	sadd.s32 s7, s6;
	s6 =	sadd.s32 $0x65200, s9  }
0xe: {  	v0 =	vmul.u32 $0x10, v0;
	s7 =	sadd.s32 $0x5B400, s9;
	s9 =	sadd.s32 $0x3C00, s12;
	s12 =	simm.s32 $0x4E20  }
.LBB2_1:
0xf: {  	[tilespmem:s3], [sflag:$0x1] =	stream.linear.gather [hbm4b:s6+s3], $0x2710, $0x38;
	[tilespmem:$0x1BB20] =	vst v63  }
0x10: {  	_ =	swait.ge [sflag:s11], $0x2710  }
0x11: {  	[sflag:s11] =	ssyncset.done $0x0  }
0x12: {  	s18 =	simm.s32 $0x2710;
	[sflag:s11] =	ssyncadd.s32 $0xFFFFD8F0  }
0x13: {  	[tilespmem:s18], [sflag:$0x1] =	stream.linear.gather [hbm4b:s7+s3], $0x2710, $0x38;
	[tilespmem:$0x1BB20] =	vst v63  }
0x14: {  	_ =	swait.ge [sflag:s11], $0x2710  }
0x15: {  	[sflag:s11] =	ssyncset.done $0x0  }
0x16: {  	[sflag:s11] =	ssyncadd.s32 $0xFFFFD8F0  }
0x17: {  	[tilespmem:s12], [sflag:$0x1] =	stream.linear.gather [hbm4b:s4+s3], $0x14000, $0x38;
	[tilespmem:$0x1BB20] =	vst v63  }
0x18: {  	_ =	swait.ge [sflag:s11], $0x14000  }
0x19: {  	[sflag:s11] =	ssyncset.done $0x0  }
0x1a: {  	[sflag:s11] =	ssyncadd.s32 $0xFFFEC000  }
0x1b: {  	[spmem:s14], [sflag:s13] =	dma.local [hbm:s8], $0x500  }
0x1c: {  	_ =	swait.ge [sflag:s11], $0x500  }
0x1d: {  	[sflag:s11] =	ssyncset.done $0x0  }
0x1e: {  	[sflag:s11] =	ssyncadd.s32 $0xFFFFFB00  }
0x1f: {  	[tilespmem:s15], [sflag:$0x1] =	stream.linear.gather [hbm4b:s5+s3], $0x500, $0x38;
	[tilespmem:$0x1BB20] =	vst v63  }
0x20: {  	_ =	swait.ge [sflag:s11], $0x500  }
0x21: {  	[sflag:s11] =	ssyncset.done $0x0  }
0x22: {  	[sflag:s11] =	ssyncadd.s32 $0xFFFFFB00  }
0x23: {  	s19 =	simm.s32 $0x0;
	s20 =	simm.s32 $0x0;
	[bflag:$0x0] =	sbarrier.arrive $0xFFFF  }
.LBB2_2:
0x24: {  	v1 =	vld [tilespmem:s19+$0x0];
	s21 =	simm.s32 $0x0  }
0x25: {  	v2 =	vld [tilespmem:s18+$0x0];
	s22 =	simm.s32 $0x10;
	s23 =	smov.u32 s19;
	s24 =	smov.u32 s18  }
.LBB2_3:
0x26: {  	p0 =	sne.s32 s22, $0x40;
	_ =	sdelay $0x3  }
0x27: {  	v1 =	vshll.u32 v1, $0x3;
	v2 =	vshll.u32 v2, $0x3  }
0x28: {  	v2 =	vor.u32 $0x1, v2;
	_ =	sdelay $0x3  }
0x29: {  	v1 =	vld.idx.msk [tilespmem:v1+s12+$0x0], $0xffff  }
0x2a: {  	v2 =	vld.idx.msk [tilespmem:v2+s12+$0x0], $0xffff;
	_ =	sdelay $0x5  }
0x2b: {  	v1 =	vadd.f32 v2, v1;
	_ =	sdelay $0x1  }
0x2c: {  	v2 =	vmin.f32 v1, $0.0e+00  }
0x2d: {  	v2 =	vmul.f32 $2.000000030e-01, v2  }
0x2e: {  	v1 =	vmax.f32 v1, $0.0e+00  }
0x2f: {  	v1 =	vadd.f32 v2, v1;
	_ =	sdelay $0x1  }
0x30: {  	v1 =	vmul.f32 $1.442695020e+00, v1;
	_ =	sdelay $0x1  }
0x31: {  	(erf) = vpow2.f32 v1;
	_ =	sdelay $0x2  }
0x32: {  	v1 =	vmov s21;
	s21 =	smov.u32 s22  }
0x33: {  	v1 =	vshll.u32 v1, $0x4  }
0x34: {  	v1 =	vor.u32 v0, v1;
	_ =	sdelay $0x2  }
.Ltmp0:
0x35: {  	(pc) =	sbr.rel @p0 .LBB2_3-.Ltmp0, $4  }
0x36: {  	v2 =	vpop (erf)  }
0x37: {  	s23 =	sadd.s32 $0x10, s23;
	[tilespmem:v1+s15+$0x0] =	vst.idx.msk $0xffff, v2  }
0x38: {  	s24 =	sadd.s32 $0x10, s24;
	v1 =	vld [tilespmem:s23+$0x0]  }
0x39: {  	s22 =	sadd.s32 $0x10, s22;
	v2 =	vld [tilespmem:s24+$0x0]  }
0x3a: {  	_ =	sdelay $0x3  }
0x3b: {  	v1 =	vshll.u32 v1, $0x3;
	v2 =	vshll.u32 v2, $0x3  }
0x3c: {  	v2 =	vor.u32 $0x1, v2;
	_ =	sdelay $0x3  }
0x3d: {  	v1 =	vld.idx.msk [tilespmem:v1+s12+$0x0], $0xffff  }
0x3e: {  	v2 =	vld.idx.msk [tilespmem:v2+s12+$0x0], $0xffff;
	_ =	sdelay $0x4  }
0x3f: {  	v1 =	vadd.f32 v2, v1;
	_ =	sdelay $0x1  }
0x40: {  	v2 =	vmin.f32 v1, $0.0e+00  }
0x41: {  	v2 =	vmul.f32 $2.000000030e-01, v2  }
0x42: {  	v1 =	vmax.f32 v1, $0.0e+00  }
0x43: {  	v1 =	vadd.f32 v2, v1;
	_ =	sdelay $0x1  }
0x44: {  	v1 =	vmul.f32 $1.442695020e+00, v1;
	_ =	sdelay $0x1  }
0x45: {  	(erf) = vpow2.f32 v1;
	_ =	sdelay $0x2  }
0x46: {  	v1 =	vmov s21  }
0x47: {  	v1 =	vshll.u32 v1, $0x4  }
0x48: {  	v1 =	vor.u32 v0, v1;
	_ =	sdelay $0x1  }
0x49: {  	s31 =	smul.u32 $0x140, s20  }
0x4a: {  	s20 =	sadd.s32 $0x1, s20  }
0x4b: {  	p0 =	sne.s32 s20, $0x7D;
	s21 =	sshra.s32 s31, $0x2;
	v2 =	vpop (erf)  }
.Ltmp1:
0x4c: {  	s21 =	sadd.s32 $0x2710, s21;
	[tilespmem:v1+s15+$0x0] =	vst.idx.msk $0xffff, v2;
	(pc) =	sbr.rel @p0 .LBB2_2-.Ltmp1, $4  }
0x4d: {  	[spmem:s2] =	stream.indirect.scatter.add.f32 [tilespmem:s15], [sflag:$0x1], $0x10, s21, s16, $0xb8;
	[tilespmem:$0x1BB20] =	vst v63  }
0x4e: {  	_ =	swait.ge [sflag:s11], $0x500  }
0x4f: {  	[sflag:s11] =	ssyncset.done $0x0  }
0x50: {  	s19 =	sadd.s32 $0x50, s19;
	s18 =	sadd.s32 $0x50, s18;
	[sflag:s11] =	ssyncadd.s32 $0xFFFFFB00  }
0x51: {  	s17 =	sadd.s32 $0x1, s17  }
0x52: {  	p0 =	sne.s32 s17, s10  }
.Ltmp2:
0x53: {  	[bflag:$0x0] =	sbarrier.arrive $0xFFFF;
	(pc) =	sbr.rel @p0 .LBB2_1-.Ltmp2, $4  }
0x54: {  	[hbm:s9], [sflag:s13] =	dma.local [spmem:s14], $0x500  }
0x55: {  	_ =	swait.ge [sflag:s11], $0x500  }
0x56: {  	[sflag:s11] =	ssyncset.done $0x0  }
0x57: {  	[sflag:s11] =	ssyncadd.s32 $0xFFFFFB00  }
0x58: {  	_ =	sfence.sel $0x180000  }
0x59: {  	[bflag:$0x0] =	sbarrier.arrive $0xFFFF  }
0x5a: {  	p0 =	sne.s32 s1, $0x0;
	_ =	strace $0x9000004D  }
0x5b: {  	s0 =	sadd.s32 @!p0 $0x100000, s0;
	[bflag:$0x2] =	sbarrier.arrive $0xFFFF  }
0x5c: {  	[sflag:s0] =	ssyncadd.tile.s32 @!p0 $0x1;
	_ =	shalt  }
.Lfunc_end2:
_tile_overlayer_lowered:
.L_overlay_start_2:
0x5d: {  	(tag) =	ssettag $0x2  }
0x5e: {  	s0 =	rddreg [dreg:$0x0];
	s2 =	stileid.u32  }
0x5f: {  	s1 =	rddreg [dreg:$0x1];
	p0 =	sne.s32 s2, $0x0  }
0x60: {  	s3 =	rddreg [dreg:$0x2];
	[bflag:$0x3] =	sbarrier.arrive $0xFFFF;
	s2 =	simm.s32 @!p0 $0x1C01  }
0x61: {  	[timem:s3], [sflag:s2] =	dma.local @!p0 [hbm:s0], s1  }
0x62: {  	s0 =	simm.s32 @!p0 $0x1  }
0x63: {  	_ =	swait.ge @!p0 [sflag:s0], s1  }
0x64: {  	s1 =	ssub.s32 @!p0 $0x0, s1;
	[sflag:s0] =	ssyncset.done @!p0 $0x0  }
0x65: {  	[sflag:s0] =	ssyncadd.s32 @!p0 s1  }
0x66: {  	[bflag:$0x3] =	sbarrier.arrive $0xFFFF  }
0x67: {  	_ =	shalt  }

// kernel: kernel.17.cloned.1.call-start
scs
__scs_entry_jumppad:
0x0: {  	(pc) =	sbr.rel $0x88, $3  }
0x1: {  	(tag) =	ssettag $0x0;
	lr =	simm.s32 $0x1  }
0x2: {  	[smem:$0x3F97] =	sst lr;
	_ =	strace $0xD0000000  }
0x3: {  	_ = 	snop  }
0x4: {  	_ = 	snop  }
0x5: {  	_ = 	snop  }
0x6: {  	_ = 	snop  }
0x7: {  	_ = 	snop  }
__scs_overlays_trampoline_lowered:
0x8: {  	[smem:$0x3FA6] =	sst s0  }
0x9: {  	[smem:$0x3FA7] =	sst s1  }
0xa: {  	[smem:$0x3FA8] =	sst s2  }
0xb: {  	[smem:$0x3FA9] =	sst s3  }
0xc: {  	[smem:$0x3FAA] =	sst s4  }
0xd: {  	[smem:$0x3FAB] =	sst s5  }
0xe: {  	[smem:$0x3FAC] =	sst s6  }
0xf: {  	[smem:$0x3FAD] =	sst s7  }
0x10: {  	[smem:$0x3FAE] =	sst s8  }
0x11: {  	[smem:$0x3FAF] =	sst s9;
	s0 =	simm.s32 @!p0 $0x0  }
0x12: {  	s1 =	sld [smem:$0x3F95];
	s0 =	simm.s32 @p0 $0x1  }
0x13: {  	[smem:$0x3FB0] =	sst s0;
	s0 =	simm.s32 @!p1 $0x0  }
0x14: {  	s2 =	sld [smem:$0x3F94];
	s0 =	simm.s32 @p1 $0x1  }
0x15: {  	[smem:$0x3FB1] =	sst s0;
	s0 =	simm.s32 @!p2 $0x0  }
0x16: {  	s3 =	sld [smem:$0x3FDB];
	s0 =	simm.s32 @p2 $0x1  }
0x17: {  	s4 =	simm.s32 $0x1BF5;
	[smem:$0x3FB3] =	sst s0  }
0x18: {  	s0 =	sld [smem:$0x3F96];
	_ =	swait.ge [sflag:s4], $0x0  }
0x19: {  	s7 =	sld [smem:$0x3F97]  }
0x1a: {  	s8 =	sadd.s32 $0xFFFFE003, lr  }
0x1b: {  	s9 =	sadd.s32 $0xFFFFFEF7, lr;
	s5 =	simm.s32 $0xFFFFFFFF;
	p2 =	slt.u32 s8, $0xFFFFF086  }
0x1c: {  	p1 =	slt.u32 s9, $0xF7A;
	s5 =	simm.s32 @!p2 $0x0  }
0x1d: {  	s5 =	simm.s32 @p1 $0x1;
	p0 =	seq.s32 s7, s2  }
0x1e: {  	s7 =	smul.u32 @!p0 $0xF7A, s2;
	p2 =	seq.s32 @!p0 s5, $0x0  }
0x1f: {  	s9 =	smul.u32 $0xF7A, s1;
	s8 =	simm.s32 @!p0 $0x1BF5;
	p2 =	por !p2, p0  }
0x20: {  	[sflag:s8] =	ssyncset.s32 @!p0 $0xFFFFF086;
	s6 =	sadd.s32 @!p0 s3, s7;
	s7 =	simm.s32 @!p0 $0x108  }
0x21: {  	s3 =	sadd.s32 s3, s9;
	s6 =	sadd.s32 @!p0 $0x88, s6;
	s7 =	simm.s32 @p2 $0x1082  }
0x22: {  	[simem:s7], [sflag:s8] =	dma.local @!p0 [hbm:s6], $0xF7A  }
0x23: {  	s9 =	sor.u32 $0xD0000000, s2;
	s6 =	simm.s32 $0x108;
	_ =	swait.ge @!p0 [sflag:s8], $0x0  }
0x24: {  	s3 =	sadd.s32 $0x88, s3;
	s6 =	simm.s32 @!p1 $0x1082;
	[sflag:s4] =	ssyncset.s32 $0xFFFFF086  }
0x25: {  	[simem:s6], [sflag:s4] =	dma.local [hbm:s3], $0xF7A  }
0x26: {  	[smem:$0x3F97] =	sst s1;
	(tag) =	ssettag s2;
	_ =	strace s9  }
0x27: {  	s1 =	sld [smem:$0x3FA7]  }
0x28: {  	s2 =	sld [smem:$0x3FA8]  }
0x29: {  	s4 =	sld [smem:$0x3FAA]  }
0x2a: {  	p0 =	seq.s32 s5, $0x0;
	s5 =	sld [smem:$0x3FAB]  }
0x2b: {  	s6 =	sld [smem:$0x3FAC]  }
0x2c: {  	s7 =	sld [smem:$0x3FAD]  }
0x2d: {  	s3 =	simm.s32 $0x108;
	s8 =	sld [smem:$0x3FAE]  }
0x2e: {  	s3 =	simm.s32 @!p0 $0x1082;
	s9 =	sld [smem:$0x3FAF]  }
0x2f: {  	lr =	sadd.s32 s0, s3;
	s0 =	sld [smem:$0x3FA6]  }
0x30: {  	s3 =	sld [smem:$0x3FA9]  }
0x31: {  	[smem:$0x3FB2] =	sst s10  }
0x32: {  	s10 =	sld [smem:$0x3FB0];
	_ =	sdelay $0x3  }
0x33: {  	p0 =	seq.s32 s10, $0x1;
	s10 =	sld [smem:$0x3FB2];
	_ =	sdelay $0x3  }
0x34: {  	[smem:$0x3FB2] =	sst s10  }
0x35: {  	s10 =	sld [smem:$0x3FB1];
	_ =	sdelay $0x3  }
0x36: {  	p1 =	seq.s32 s10, $0x1;
	s10 =	sld [smem:$0x3FB2];
	_ =	sdelay $0x3  }
0x37: {  	[smem:$0x3FB2] =	sst s10  }
0x38: {  	s10 =	sld [smem:$0x3FB3]  }
0x39: {  	_ = 	snop;
	(pc) =	sbr.ind lr, $3  }
0x3a: {  	_ = 	snop  }
0x3b: {  	_ = 	snop  }
0x3c: {  	p2 =	seq.s32 s10, $0x1;
	s10 =	sld [smem:$0x3FB2]  }
0x3d: {  	_ =	shalt  }
0x3e: {  	_ =	shalt  }
0x3f: {  	_ =	shalt  }
0x40: {  	_ =	shalt  }
0x41: {  	_ =	shalt  }
0x42: {  	_ =	shalt  }
0x43: {  	_ =	shalt  }
0x44: {  	_ =	shalt  }
0x45: {  	_ =	shalt  }
0x46: {  	_ =	shalt  }
0x47: {  	_ =	shalt  }
0x48: {  	_ =	shalt  }
0x49: {  	_ =	shalt  }
0x4a: {  	_ =	shalt  }
0x4b: {  	_ =	shalt  }
0x4c: {  	_ =	shalt  }
0x4d: {  	_ =	shalt  }
0x4e: {  	_ =	shalt  }
0x4f: {  	_ =	shalt  }
0x50: {  	_ =	shalt  }
0x51: {  	_ =	shalt  }
0x52: {  	_ =	shalt  }
0x53: {  	_ =	shalt  }
0x54: {  	_ =	shalt  }
0x55: {  	_ =	shalt  }
0x56: {  	_ =	shalt  }
0x57: {  	_ =	shalt  }
0x58: {  	_ =	shalt  }
0x59: {  	_ =	shalt  }
0x5a: {  	_ =	shalt  }
0x5b: {  	_ =	shalt  }
0x5c: {  	_ =	shalt  }
0x5d: {  	_ =	shalt  }
0x5e: {  	_ =	shalt  }
0x5f: {  	_ =	shalt  }
0x60: {  	_ =	shalt  }
0x61: {  	_ =	shalt  }
0x62: {  	_ =	shalt  }
0x63: {  	_ =	shalt  }
0x64: {  	_ =	shalt  }
0x65: {  	_ =	shalt  }
0x66: {  	_ =	shalt  }
0x67: {  	_ =	shalt  }
0x68: {  	_ =	shalt  }
0x69: {  	_ =	shalt  }
0x6a: {  	_ =	shalt  }
0x6b: {  	_ =	shalt  }
0x6c: {  	_ =	shalt  }
0x6d: {  	_ =	shalt  }
0x6e: {  	_ =	shalt  }
0x6f: {  	_ =	shalt  }
0x70: {  	_ =	shalt  }
0x71: {  	_ =	shalt  }
0x72: {  	_ =	shalt  }
0x73: {  	_ =	shalt  }
0x74: {  	_ =	shalt  }
0x75: {  	_ =	shalt  }
0x76: {  	_ =	shalt  }
0x77: {  	_ =	shalt  }
0x78: {  	_ =	shalt  }
0x79: {  	_ =	shalt  }
0x7a: {  	_ =	shalt  }
0x7b: {  	_ =	shalt  }
0x7c: {  	_ =	shalt  }
0x7d: {  	_ =	shalt  }
0x7e: {  	_ =	shalt  }
0x7f: {  	_ =	shalt  }
0x80: {  	_ =	shalt  }
0x81: {  	_ =	shalt  }
0x82: {  	_ =	shalt  }
0x83: {  	_ =	shalt  }
0x84: {  	_ =	shalt  }
0x85: {  	_ =	shalt  }
0x86: {  	_ =	shalt  }
0x87: {  	_ =	shalt  }
.Lfunc_end0:
.L_simem_size_0:
called_computation.3_lowered:
.L_overlay_start_0:
0x88: {  	s2 =	sld [smem:$0x3FD9]  }
0x89: {  	s3 =	sld [smem:$0x3FFE];
	_ =	sdelay $0x1  }
0x8a: {  	s1 =	srdreg.scid  }
0x8b: {  	s0 =	sand.u32 $0x1, s1  }
0x8c: {  	s17 =	sshll.u32 s0, $0xA;
	s2 =	sadd.s32 s3, s2  }
0x8d: {  	s2 =	sadd.s32 s2, s17  }
0x8e: {  	[smem:$0x3FBE] =	sst s2  }
0x8f: {  	_ = 	snop  }
0x90: {  	s2 =	sld [smem:$0x3FD0];
	(tm) =	ssettm $0x1  }
0x91: {  	s18 =	sld [smem:$0x3FFB];
	_ =	sdelay $0x3  }
0x92: {  	_ =	strace s18  }
0x93: {  	s3 =	sld [smem:$0x3FFC];
	_ =	sdelay $0x3  }
0x94: {  	_ =	strace s3  }
0x95: {  	s3 =	sld [smem:$0x3FFD];
	_ =	sdelay $0x3  }
0x96: {  	_ =	strace s3  }
0x97: {  	_ =	strace $0x8FFFFFFF  }
0x98: {  	s19 =	sld [smem:$0x3FDB];
	_ =	sdelay $0x1  }
0x99: {  	s4 =	simm.s32 $_scs_section_size  }
0x9a: {  	s5 =	simm.s32 $_size__tile_overlayer_lowered;
	s6 =	simm.s32 $_tile_overlayer_lowered  }
0x9b: {  	s22 =	simm.s32 $0x1BFF;
	s21 =	sshll.u32 s6, $0x1;
	s3 =	sadd.s32 s4, s19  }
0x9c: {  	s7 =	simm.s32 $0x0;
	s20 =	sshll.u32 s5, $0x1;
	s5 =	sadd.s32 s21, s3  }
0x9d: {  	[timem:s7], [sflag:s22] =	dma.local [hbm:s5], s20  }
0x9e: {  	_ =	swait.ge [sflag:s22], s20  }
0x9f: {  	s4 =	ssub.s32 $0x0, s20;
	[sflag:s22] =	ssyncset.done $0x0  }
0xa0: {  	[sflag:s22] =	ssyncadd.s32 s4;
	_ =	sdelay $0x1  }
0xa1: {  	s23 =	simm.s32 $0x1B8B  }
0xa2: {  	_ =	swait.ge [sflag:s23], $0x1  }
0xa3: {  	[sflag:s23] =	ssyncset.done $0x0  }
0xa4: {  	s25 =	simm.s32 $0x1B8E;
	s24 =	sld [smem:$0x3FFE];
	[sflag:s23] =	ssyncadd.s32 $0xFFFFFFFF  }
0xa5: {  	s26 =	simm.s32 $execute0_lowered;
	[smem:$0x3FD2] =	sst s25  }
0xa6: {  	s5 =	sshll.u32 s26, $0x1;
	_ =	strace $0x8000004F;
	[dreg:$0x1] =	wrdreg $0xFFFFFFFF  }
0xa7: {  	s28 =	simm.s32 $_size_execute0_lowered;
	s3 =	sadd.s32 s3, s5;
	[dreg:$0x0] =	wrdreg $0x0  }
0xa8: {  	s5 =	sshll.u32 s28, $0x1;
	[dreg:$0x2] =	wrdreg s3  }
0xa9: {  	[dreg:$0x3] =	wrdreg s5  }
0xaa: {  	[dreg:$0x4] =	wrdreg $0xC0  }
0xab: {  	_ =	task [dreg:s7], $0x5FFFF  }
0xac: {  	[dreg:$0x1] =	wrdreg $0xFFFFFFFF  }
0xad: {  	[dreg:$0x0] =	wrdreg $0x60  }
0xae: {  	[dreg:$0x2] =	wrdreg s24  }
0xaf: {  	[dreg:$0x3] =	wrdreg s2  }
0xb0: {  	[dreg:$0x4] =	wrdreg $0x1BB200  }
0xb1: {  	[dreg:$0x5] =	wrdreg $0x9  }
0xb2: {  	_ =	task.clear_ibuf [dreg:s7], $0x6FFFF;
	_ =	strace $0x9000004F  }
0xb3: {  	s29 =	simm.s32 $0x9;
	_ =	strace $0x80000051  }
0xb4: {  	_ =	swait.ge [sflag:s29], $0x1  }
0xb5: {  	[sflag:s29] =	ssyncadd.s32 $0xFFFFFFFF  }
0xb6: {  	_ =	strace $0x90000051  }
0xb7: {  	_ =	sfence  }
0xb8: {  	s30 =	sld [smem:$0x0];
	_ =	sdelay $0x2  }
0xb9: {  	s31 =	sshll.u32 s1, $0xD;
	s1 =	sshrl.u32 s1, $0x2  }
0xba: {  	s3 =	sand.u32 $0x4000, s31;
	s1 =	sadd.s32 s1, s30  }
0xbb: {  	s0 =	sor.u32 s3, s0;
	s1 =	sshll.u32 s1, $0x11  }
0xbc: {  	s0 =	sor.u32 s1, s0  }
0xbd: {  	s0 =	sadd.s32 $0x8F2B, s0  }
0xbe: {  	[sflag:s0] =	ssyncadd.remote.s32 $0x1  }
0xbf: {  	_ =	sfence.sel $0xFFFF  }
0xc0: {  	[dreg:$0x0] =	wrdreg $0xFFFFFFFF;
	(pc) =	sbr.abs _section_cstart, $3  }
0xc1: {  	[dreg:$0x1] =	wrdreg $0xFFFFFFFF  }
0xc2: {  	_ =	task.clear_ibuf [dreg:s7], $0x2FFFF;
	_ =	strace $0x9FFFFFFF  }
0xc3: {  	(tm) =	ssettm $0x7FFFFFFF  }
tec
execute0_lowered:
.L_overlay_start_1:
0x0: {  	(tag) =	ssettag $0x1  }
0x1: {  	s7 =	rddreg [dreg:$0x0]  }
0x2: {  	s2 =	rddreg [dreg:$0x1]  }
0x3: {  	s0 =	srdreg.scid;
	s3 =	rddreg [dreg:$0x2]  }
0x4: {  	s4 =	simm.s32 $0x0;
	s13 =	simm.s32 $0x4E20;
	s14 =	simm.s32 $0x18E20  }
0x5: {  	s17 =	simm.s32 $0x1B620;
	s18 =	simm.s32 $0x50;
	s19 =	simm.s32 $0x0  }
0x6: {  	s6 =	sand.u32 $0x1, s0;
	s0 =	stileid.u32;
	[smem:$0x7FF] =	sst s4  }
0x7: {  	s5 =	sadd.s32 $0x1400, s7;
	s1 =	sshll.u32 s6, $0x4;
	s9 =	smul.u32 $0x2800, s0  }
0x8: {  	s10 =	smul.u32 $0x28000, s6;
	s11 =	ssub.s32 $0x2, s6;
	s6 =	sadd.s32 $0x6F000, s7  }
0x9: {  	s15 =	sshll.u32 s0, $0x6;
	s1 =	sor.u32 s0, s1;
	s12 =	sshrl.u32 s11, $0x1  }
0xa: {  	s15 =	sor.u32 $0x1C01, s15;
	s8 =	smul.u32 $0x4E2, s1;
	s1 =	rddreg [dreg:$0x3]  }
0xb: {  	_ =	strace $0x80000050;
	s10 =	sadd.s32 s9, s10;
	s11 =	ssub.s32 s11, s12  }
0xc: {  	s16 =	sadd.s32 s9, s3;
	s9 =	sshrl.u32 s9, $0x3;
	s12 =	simm.s32 $0x1  }
0xd: {  	s10 =	sshrl.u32 s10, $0x3;
	s9 =	sadd.s32 s6, s9;
	s11 =	smax.u32 s11, $0x1  }
0xe: {  	v0 =	vlaneseq.u32;
	s16 =	sshrl.u32 s16, $0x3;
	s8 =	sadd.s32 s8, s7;
	s10 =	sadd.s32 s10, s7  }
0xf: {  	v0 =	vmul.u32 $0x10, v0;
	s7 =	sadd.s32 $0x65200, s8;
	s8 =	sadd.s32 $0x5B400, s8;
	s10 =	sadd.s32 $0x3C00, s10  }
.LBB2_1:
0x10: {  	[tilespmem:s4], [sflag:$0x1] =	stream.linear.gather [hbm4b:s7+s4], $0x2710, $0x38;
	[tilespmem:$0x1E320] =	vst v63  }
0x11: {  	_ =	swait.ge [sflag:s12], $0x2710  }
0x12: {  	[sflag:s12] =	ssyncset.done $0x0  }
0x13: {  	s20 =	simm.s32 $0x2710;
	[sflag:s12] =	ssyncadd.s32 $0xFFFFD8F0  }
0x14: {  	[tilespmem:s20], [sflag:$0x1] =	stream.linear.gather [hbm4b:s8+s4], $0x2710, $0x38;
	[tilespmem:$0x1E320] =	vst v63  }
0x15: {  	_ =	swait.ge [sflag:s12], $0x2710  }
0x16: {  	[sflag:s12] =	ssyncset.done $0x0  }
0x17: {  	[sflag:s12] =	ssyncadd.s32 $0xFFFFD8F0  }
0x18: {  	[tilespmem:s13], [sflag:$0x1] =	stream.linear.gather [hbm4b:s5+s4], $0x14000, $0x38;
	[tilespmem:$0x1E320] =	vst v63  }
0x19: {  	_ =	swait.ge [sflag:s12], $0x14000  }
0x1a: {  	[sflag:s12] =	ssyncset.done $0x0  }
0x1b: {  	[sflag:s12] =	ssyncadd.s32 $0xFFFEC000  }
0x1c: {  	[tilespmem:s14], [sflag:$0x1] =	stream.linear.gather [hbm4b:s2+s4], $0x2800, $0x38;
	[tilespmem:$0x1E320] =	vst v63  }
0x1d: {  	_ =	swait.ge [sflag:s12], $0x2800  }
0x1e: {  	[sflag:s12] =	ssyncset.done $0x0  }
0x1f: {  	[sflag:s12] =	ssyncadd.s32 $0xFFFFD800  }
0x20: {  	[spmem:s16], [sflag:s15] =	dma.local [hbm:s9], $0x500  }
0x21: {  	_ =	swait.ge [sflag:s12], $0x500  }
0x22: {  	[sflag:s12] =	ssyncset.done $0x0  }
0x23: {  	[sflag:s12] =	ssyncadd.s32 $0xFFFFFB00  }
0x24: {  	[tilespmem:s17], [sflag:$0x1] =	stream.linear.gather [hbm4b:s6+s4], $0x500, $0x38;
	[tilespmem:$0x1E320] =	vst v63  }
0x25: {  	_ =	swait.ge [sflag:s12], $0x500  }
0x26: {  	[sflag:s12] =	ssyncset.done $0x0  }
0x27: {  	[sflag:s12] =	ssyncadd.s32 $0xFFFFFB00  }
0x28: {  	s21 =	simm.s32 $0x0;
	s22 =	simm.s32 $0x0;
	[bflag:$0x0] =	sbarrier.arrive $0xFFFF  }
.LBB2_2:
0x29: {  	v2 =	vld [tilespmem:s21+$0x0];
	s23 =	simm.s32 $0x0  }
0x2a: {  	v1 =	vld [tilespmem:s20+$0x0];
	s24 =	simm.s32 $0x10;
	s25 =	smov.u32 s21;
	s26 =	smov.u32 s20  }
.LBB2_3:
0x2b: {  	p0 =	sne.s32 s24, $0x40;
	_ =	sdelay $0x3  }
0x2c: {  	v2 =	vshll.u32 v2, $0x3;
	v3 =	vshll.u32 v1, $0x3  }
0x2d: {  	v3 =	vor.u32 $0x1, v3;
	_ =	sdelay $0x3  }
0x2e: {  	v4 =	vld.idx.msk [tilespmem:v2+s13+$0x0], $0xffff  }
0x2f: {  	v3 =	vld.idx.msk [tilespmem:v3+s13+$0x0], $0xffff;
	_ =	sdelay $0x5  }
0x30: {  	v3 =	vadd.f32 v3, v4;
	_ =	sdelay $0x1  }
0x31: {  	v4 =	vmin.f32 v3, $0.0e+00  }
0x32: {  	v4 =	vmul.f32 $2.000000030e-01, v4;
	v1 =	vld.idx.msk [tilespmem:v1+s14+$0x0], $0xffff  }
0x33: {  	v3 =	vmax.f32 v3, $0.0e+00  }
0x34: {  	v3 =	vadd.f32 v4, v3;
	_ =	sdelay $0x1  }
0x35: {  	v3 =	vmul.f32 $1.442695020e+00, v3  }
0x36: {  	v2 =	vor.u32 $0x2, v2  }
0x37: {  	v1 =	vadd.f32 $9.999999710e-10, v1;
	(erf) = vpow2.f32 v3;
	_ =	sdelay $0x1  }
0x38: {  	(erf) = vrcp.f32 v1;
	_ =	sdelay $0x1  }
0x39: {  	v1 =	vld.idx.msk [tilespmem:v2+s13+$0x0], $0xffff;
	_ =	sdelay $0x2  }
0x3a: {  	v2 =	vmov s23;
	s23 =	smov.u32 s24  }
0x3b: {  	v2 =	vshll.u32 v2, $0x4  }
0x3c: {  	v2 =	vor.u32 v0, v2;
	v3 =	vpop (erf)  }
0x3d: {  	v1 =	vmul.f32 v3, v1  }
0x3e: {  	v3 =	vpop (erf)  }
.Ltmp0:
0x3f: {  	v1 =	vmul.f32 v1, v3;
	(pc) =	sbr.rel @p0 .LBB2_3-.Ltmp0, $4  }
0x40: {  	_ = 	snop  }
0x41: {  	s25 =	sadd.s32 $0x10, s25;
	[tilespmem:v2+s17+$0x0] =	vst.idx.msk $0xffff, v1  }
0x42: {  	s26 =	sadd.s32 $0x10, s26;
	v2 =	vld [tilespmem:s25+$0x0]  }
0x43: {  	s24 =	sadd.s32 $0x10, s24;
	v1 =	vld [tilespmem:s26+$0x0]  }
0x44: {  	_ =	sdelay $0x3  }
0x45: {  	v2 =	vshll.u32 v2, $0x3;
	v3 =	vshll.u32 v1, $0x3  }
0x46: {  	v3 =	vor.u32 $0x1, v3;
	_ =	sdelay $0x3  }
0x47: {  	v4 =	vld.idx.msk [tilespmem:v2+s13+$0x0], $0xffff  }
0x48: {  	v3 =	vld.idx.msk [tilespmem:v3+s13+$0x0], $0xffff;
	_ =	sdelay $0x4  }
0x49: {  	v3 =	vadd.f32 v3, v4;
	_ =	sdelay $0x1  }
0x4a: {  	v4 =	vmin.f32 v3, $0.0e+00  }
0x4b: {  	v4 =	vmul.f32 $2.000000030e-01, v4  }
0x4c: {  	v1 =	vld.idx.msk [tilespmem:v1+s14+$0x0], $0xffff;
	v3 =	vmax.f32 v3, $0.0e+00  }
0x4d: {  	v3 =	vadd.f32 v4, v3;
	_ =	sdelay $0x1  }
0x4e: {  	v3 =	vmul.f32 $1.442695020e+00, v3;
	_ =	sdelay $0x1  }
0x4f: {  	v2 =	vor.u32 $0x2, v2;
	v1 =	vadd.f32 $9.999999710e-10, v1;
	(erf) = vpow2.f32 v3;
	_ =	sdelay $0x1  }
0x50: {  	(erf) = vrcp.f32 v1;
	_ =	sdelay $0x2  }
0x51: {  	v1 =	vld.idx.msk [tilespmem:v2+s13+$0x0], $0xffff;
	_ =	sdelay $0x1  }
0x52: {  	v2 =	vmov s23  }
0x53: {  	v2 =	vshll.u32 v2, $0x4  }
0x54: {  	v2 =	vor.u32 v0, v2;
	v3 =	vpop (erf)  }
0x55: {  	v1 =	vmul.f32 v3, v1  }
0x56: {  	s31 =	smul.u32 $0x140, s22;
	v3 =	vpop (erf)  }
0x57: {  	s22 =	sadd.s32 $0x1, s22;
	v1 =	vmul.f32 v1, v3  }
0x58: {  	p0 =	sne.s32 s22, $0x7D;
	s23 =	sshra.s32 s31, $0x2  }
.Ltmp1:
0x59: {  	s23 =	sadd.s32 $0x2710, s23;
	[tilespmem:v2+s17+$0x0] =	vst.idx.msk $0xffff, v1;
	(pc) =	sbr.rel @p0 .LBB2_2-.Ltmp1, $4  }
0x5a: {  	[spmem:s3] =	stream.indirect.scatter.add.f32 [tilespmem:s17], [sflag:$0x1], $0x10, s23, s18, $0xb8;
	[tilespmem:$0x1E320] =	vst v63  }
0x5b: {  	_ =	swait.ge [sflag:s12], $0x500  }
0x5c: {  	[sflag:s12] =	ssyncset.done $0x0  }
0x5d: {  	s21 =	sadd.s32 $0x50, s21;
	s20 =	sadd.s32 $0x50, s20;
	[sflag:s12] =	ssyncadd.s32 $0xFFFFFB00  }
0x5e: {  	s19 =	sadd.s32 $0x1, s19  }
0x5f: {  	p0 =	sne.s32 s19, s11  }
.Ltmp2:
0x60: {  	[bflag:$0x0] =	sbarrier.arrive $0xFFFF;
	(pc) =	sbr.rel @p0 .LBB2_1-.Ltmp2, $4  }
0x61: {  	[hbm:s10], [sflag:s15] =	dma.local [spmem:s16], $0x500  }
0x62: {  	_ =	swait.ge [sflag:s12], $0x500  }
0x63: {  	[sflag:s12] =	ssyncset.done $0x0  }
0x64: {  	[sflag:s12] =	ssyncadd.s32 $0xFFFFFB00  }
0x65: {  	_ =	sfence.sel $0x180000  }
0x66: {  	[bflag:$0x0] =	sbarrier.arrive $0xFFFF  }
0x67: {  	p0 =	sne.s32 s0, $0x0;
	_ =	strace $0x90000050  }
0x68: {  	s0 =	sadd.s32 @!p0 $0x100000, s1;
	[bflag:$0x2] =	sbarrier.arrive $0xFFFF  }
0x69: {  	[sflag:s0] =	ssyncadd.tile.s32 @!p0 $0x1;
	_ =	shalt  }
.Lfunc_end2:
_tile_overlayer_lowered:
.L_overlay_start_2:
0x6a: {  	(tag) =	ssettag $0x2  }
0x6b: {  	s0 =	rddreg [dreg:$0x0];
	s2 =	stileid.u32  }
0x6c: {  	s1 =	rddreg [dreg:$0x1];
	p0 =	sne.s32 s2, $0x0  }
0x6d: {  	s3 =	rddreg [dreg:$0x2];
	[bflag:$0x3] =	sbarrier.arrive $0xFFFF;
	s2 =	simm.s32 @!p0 $0x1C01  }
0x6e: {  	[timem:s3], [sflag:s2] =	dma.local @!p0 [hbm:s0], s1  }
0x6f: {  	s0 =	simm.s32 @!p0 $0x1  }
0x70: {  	_ =	swait.ge @!p0 [sflag:s0], s1  }
0x71: {  	s1 =	ssub.s32 @!p0 $0x0, s1;
	[sflag:s0] =	ssyncset.done @!p0 $0x0  }
0x72: {  	[sflag:s0] =	ssyncadd.s32 @!p0 s1  }
0x73: {  	[bflag:$0x3] =	sbarrier.arrive $0xFFFF  }
0x74: {  	_ =	shalt  }

// kernel: kernel.8.cloned.1.call-start
scs
__scs_entry_jumppad:
0x0: {  	(pc) =	sbr.rel $0x88, $3  }
0x1: {  	(tag) =	ssettag $0x0;
	lr =	simm.s32 $0x1  }
0x2: {  	[smem:$0x3F97] =	sst lr;
	_ =	strace $0xD0000000  }
0x3: {  	_ = 	snop  }
0x4: {  	_ = 	snop  }
0x5: {  	_ = 	snop  }
0x6: {  	_ = 	snop  }
0x7: {  	_ = 	snop  }
__scs_overlays_trampoline_lowered:
0x8: {  	[smem:$0x3FA6] =	sst s0  }
0x9: {  	[smem:$0x3FA7] =	sst s1  }
0xa: {  	[smem:$0x3FA8] =	sst s2  }
0xb: {  	[smem:$0x3FA9] =	sst s3  }
0xc: {  	[smem:$0x3FAA] =	sst s4  }
0xd: {  	[smem:$0x3FAB] =	sst s5  }
0xe: {  	[smem:$0x3FAC] =	sst s6  }
0xf: {  	[smem:$0x3FAD] =	sst s7  }
0x10: {  	[smem:$0x3FAE] =	sst s8  }
0x11: {  	[smem:$0x3FAF] =	sst s9;
	s0 =	simm.s32 @!p0 $0x0  }
0x12: {  	s1 =	sld [smem:$0x3F95];
	s0 =	simm.s32 @p0 $0x1  }
0x13: {  	[smem:$0x3FB0] =	sst s0;
	s0 =	simm.s32 @!p1 $0x0  }
0x14: {  	s2 =	sld [smem:$0x3F94];
	s0 =	simm.s32 @p1 $0x1  }
0x15: {  	[smem:$0x3FB1] =	sst s0;
	s0 =	simm.s32 @!p2 $0x0  }
0x16: {  	s3 =	sld [smem:$0x3FDB];
	s0 =	simm.s32 @p2 $0x1  }
0x17: {  	s4 =	simm.s32 $0x1BF5;
	[smem:$0x3FB3] =	sst s0  }
0x18: {  	s0 =	sld [smem:$0x3F96];
	_ =	swait.ge [sflag:s4], $0x0  }
0x19: {  	s7 =	sld [smem:$0x3F97]  }
0x1a: {  	s8 =	sadd.s32 $0xFFFFE003, lr  }
0x1b: {  	s9 =	sadd.s32 $0xFFFFFEF7, lr;
	s5 =	simm.s32 $0xFFFFFFFF;
	p2 =	slt.u32 s8, $0xFFFFF086  }
0x1c: {  	p1 =	slt.u32 s9, $0xF7A;
	s5 =	simm.s32 @!p2 $0x0  }
0x1d: {  	s5 =	simm.s32 @p1 $0x1;
	p0 =	seq.s32 s7, s2  }
0x1e: {  	s7 =	smul.u32 @!p0 $0xF7A, s2;
	p2 =	seq.s32 @!p0 s5, $0x0  }
0x1f: {  	s9 =	smul.u32 $0xF7A, s1;
	s8 =	simm.s32 @!p0 $0x1BF5;
	p2 =	por !p2, p0  }
0x20: {  	[sflag:s8] =	ssyncset.s32 @!p0 $0xFFFFF086;
	s6 =	sadd.s32 @!p0 s3, s7;
	s7 =	simm.s32 @!p0 $0x108  }
0x21: {  	s3 =	sadd.s32 s3, s9;
	s6 =	sadd.s32 @!p0 $0x88, s6;
	s7 =	simm.s32 @p2 $0x1082  }
0x22: {  	[simem:s7], [sflag:s8] =	dma.local @!p0 [hbm:s6], $0xF7A  }
0x23: {  	s9 =	sor.u32 $0xD0000000, s2;
	s6 =	simm.s32 $0x108;
	_ =	swait.ge @!p0 [sflag:s8], $0x0  }
0x24: {  	s3 =	sadd.s32 $0x88, s3;
	s6 =	simm.s32 @!p1 $0x1082;
	[sflag:s4] =	ssyncset.s32 $0xFFFFF086  }
0x25: {  	[simem:s6], [sflag:s4] =	dma.local [hbm:s3], $0xF7A  }
0x26: {  	[smem:$0x3F97] =	sst s1;
	(tag) =	ssettag s2;
	_ =	strace s9  }
0x27: {  	s1 =	sld [smem:$0x3FA7]  }
0x28: {  	s2 =	sld [smem:$0x3FA8]  }
0x29: {  	s4 =	sld [smem:$0x3FAA]  }
0x2a: {  	p0 =	seq.s32 s5, $0x0;
	s5 =	sld [smem:$0x3FAB]  }
0x2b: {  	s6 =	sld [smem:$0x3FAC]  }
0x2c: {  	s7 =	sld [smem:$0x3FAD]  }
0x2d: {  	s3 =	simm.s32 $0x108;
	s8 =	sld [smem:$0x3FAE]  }
0x2e: {  	s3 =	simm.s32 @!p0 $0x1082;
	s9 =	sld [smem:$0x3FAF]  }
0x2f: {  	lr =	sadd.s32 s0, s3;
	s0 =	sld [smem:$0x3FA6]  }
0x30: {  	s3 =	sld [smem:$0x3FA9]  }
0x31: {  	[smem:$0x3FB2] =	sst s10  }
0x32: {  	s10 =	sld [smem:$0x3FB0];
	_ =	sdelay $0x3  }
0x33: {  	p0 =	seq.s32 s10, $0x1;
	s10 =	sld [smem:$0x3FB2];
	_ =	sdelay $0x3  }
0x34: {  	[smem:$0x3FB2] =	sst s10  }
0x35: {  	s10 =	sld [smem:$0x3FB1];
	_ =	sdelay $0x3  }
0x36: {  	p1 =	seq.s32 s10, $0x1;
	s10 =	sld [smem:$0x3FB2];
	_ =	sdelay $0x3  }
0x37: {  	[smem:$0x3FB2] =	sst s10  }
0x38: {  	s10 =	sld [smem:$0x3FB3]  }
0x39: {  	_ = 	snop;
	(pc) =	sbr.ind lr, $3  }
0x3a: {  	_ = 	snop  }
0x3b: {  	_ = 	snop  }
0x3c: {  	p2 =	seq.s32 s10, $0x1;
	s10 =	sld [smem:$0x3FB2]  }
0x3d: {  	_ =	shalt  }
0x3e: {  	_ =	shalt  }
0x3f: {  	_ =	shalt  }
0x40: {  	_ =	shalt  }
0x41: {  	_ =	shalt  }
0x42: {  	_ =	shalt  }
0x43: {  	_ =	shalt  }
0x44: {  	_ =	shalt  }
0x45: {  	_ =	shalt  }
0x46: {  	_ =	shalt  }
0x47: {  	_ =	shalt  }
0x48: {  	_ =	shalt  }
0x49: {  	_ =	shalt  }
0x4a: {  	_ =	shalt  }
0x4b: {  	_ =	shalt  }
0x4c: {  	_ =	shalt  }
0x4d: {  	_ =	shalt  }
0x4e: {  	_ =	shalt  }
0x4f: {  	_ =	shalt  }
0x50: {  	_ =	shalt  }
0x51: {  	_ =	shalt  }
0x52: {  	_ =	shalt  }
0x53: {  	_ =	shalt  }
0x54: {  	_ =	shalt  }
0x55: {  	_ =	shalt  }
0x56: {  	_ =	shalt  }
0x57: {  	_ =	shalt  }
0x58: {  	_ =	shalt  }
0x59: {  	_ =	shalt  }
0x5a: {  	_ =	shalt  }
0x5b: {  	_ =	shalt  }
0x5c: {  	_ =	shalt  }
0x5d: {  	_ =	shalt  }
0x5e: {  	_ =	shalt  }
0x5f: {  	_ =	shalt  }
0x60: {  	_ =	shalt  }
0x61: {  	_ =	shalt  }
0x62: {  	_ =	shalt  }
0x63: {  	_ =	shalt  }
0x64: {  	_ =	shalt  }
0x65: {  	_ =	shalt  }
0x66: {  	_ =	shalt  }
0x67: {  	_ =	shalt  }
0x68: {  	_ =	shalt  }
0x69: {  	_ =	shalt  }
0x6a: {  	_ =	shalt  }
0x6b: {  	_ =	shalt  }
0x6c: {  	_ =	shalt  }
0x6d: {  	_ =	shalt  }
0x6e: {  	_ =	shalt  }
0x6f: {  	_ =	shalt  }
0x70: {  	_ =	shalt  }
0x71: {  	_ =	shalt  }
0x72: {  	_ =	shalt  }
0x73: {  	_ =	shalt  }
0x74: {  	_ =	shalt  }
0x75: {  	_ =	shalt  }
0x76: {  	_ =	shalt  }
0x77: {  	_ =	shalt  }
0x78: {  	_ =	shalt  }
0x79: {  	_ =	shalt  }
0x7a: {  	_ =	shalt  }
0x7b: {  	_ =	shalt  }
0x7c: {  	_ =	shalt  }
0x7d: {  	_ =	shalt  }
0x7e: {  	_ =	shalt  }
0x7f: {  	_ =	shalt  }
0x80: {  	_ =	shalt  }
0x81: {  	_ =	shalt  }
0x82: {  	_ =	shalt  }
0x83: {  	_ =	shalt  }
0x84: {  	_ =	shalt  }
0x85: {  	_ =	shalt  }
0x86: {  	_ =	shalt  }
0x87: {  	_ =	shalt  }
.Lfunc_end0:
.L_simem_size_0:
called_computation_lowered:
.L_overlay_start_0:
0x88: {  	s2 =	sld [smem:$0x3FD9]  }
0x89: {  	s3 =	sld [smem:$0x3FFE];
	_ =	sdelay $0x1  }
0x8a: {  	s1 =	srdreg.scid  }
0x8b: {  	s0 =	sand.u32 $0x1, s1  }
0x8c: {  	s16 =	sshll.u32 s0, $0xA;
	s2 =	sadd.s32 s3, s2  }
0x8d: {  	s2 =	sadd.s32 s2, s16  }
0x8e: {  	[smem:$0x3FBE] =	sst s2  }
0x8f: {  	_ = 	snop  }
0x90: {  	(tm) =	ssettm $0x1  }
0x91: {  	s17 =	sld [smem:$0x3FFB];
	_ =	sdelay $0x3  }
0x92: {  	_ =	strace s17  }
0x93: {  	s2 =	sld [smem:$0x3FFC];
	_ =	sdelay $0x3  }
0x94: {  	_ =	strace s2  }
0x95: {  	s2 =	sld [smem:$0x3FFD];
	_ =	sdelay $0x3  }
0x96: {  	_ =	strace s2  }
0x97: {  	_ =	strace $0x8FFFFFFF  }
0x98: {  	s18 =	sld [smem:$0x3FDB];
	_ =	sdelay $0x1  }
0x99: {  	s19 =	simm.s32 $_scs_section_size  }
0x9a: {  	s4 =	simm.s32 $_size__tile_overlayer_lowered;
	s5 =	simm.s32 $_tile_overlayer_lowered  }
0x9b: {  	s22 =	simm.s32 $0x1BFF;
	s21 =	sshll.u32 s5, $0x1;
	s2 =	sadd.s32 s19, s18  }
0x9c: {  	s6 =	simm.s32 $0x0;
	s20 =	sshll.u32 s4, $0x1;
	s4 =	sadd.s32 s21, s2  }
0x9d: {  	[timem:s6], [sflag:s22] =	dma.local [hbm:s4], s20  }
0x9e: {  	_ =	swait.ge [sflag:s22], s20  }
0x9f: {  	s3 =	ssub.s32 $0x0, s20;
	[sflag:s22] =	ssyncset.done $0x0  }
0xa0: {  	[sflag:s22] =	ssyncadd.s32 s3;
	_ =	sdelay $0x1  }
0xa1: {  	s23 =	simm.s32 $0x1B8B  }
0xa2: {  	_ =	swait.ge [sflag:s23], $0x1  }
0xa3: {  	[sflag:s23] =	ssyncset.done $0x0  }
0xa4: {  	s25 =	simm.s32 $0x1B8E;
	s24 =	sld [smem:$0x3FFE];
	[sflag:s23] =	ssyncadd.s32 $0xFFFFFFFF  }
0xa5: {  	s26 =	simm.s32 $execute0_lowered;
	[smem:$0x3FD2] =	sst s25  }
0xa6: {  	s4 =	sshll.u32 s26, $0x1;
	_ =	strace $0x80000046;
	[dreg:$0x1] =	wrdreg $0xFFFFFFFF  }
0xa7: {  	s28 =	simm.s32 $_size_execute0_lowered;
	s2 =	sadd.s32 s2, s4;
	[dreg:$0x0] =	wrdreg $0x0  }
0xa8: {  	s4 =	sshll.u32 s28, $0x1;
	[dreg:$0x2] =	wrdreg s2  }
0xa9: {  	[dreg:$0x3] =	wrdreg s4  }
0xaa: {  	[dreg:$0x4] =	wrdreg $0xC0  }
0xab: {  	_ =	task [dreg:s6], $0x5FFFF  }
0xac: {  	[dreg:$0x1] =	wrdreg $0xFFFFFFFF  }
0xad: {  	[dreg:$0x0] =	wrdreg $0x60  }
0xae: {  	[dreg:$0x2] =	wrdreg s24  }
0xaf: {  	[dreg:$0x3] =	wrdreg $0x5D200  }
0xb0: {  	[dreg:$0x4] =	wrdreg $0x9  }
0xb1: {  	_ =	task.clear_ibuf [dreg:s6], $0x5FFFF;
	_ =	strace $0x90000046  }
0xb2: {  	s29 =	simm.s32 $0x9;
	_ =	strace $0x80000048  }
0xb3: {  	_ =	swait.ge [sflag:s29], $0x1  }
0xb4: {  	[sflag:s29] =	ssyncadd.s32 $0xFFFFFFFF  }
0xb5: {  	_ =	strace $0x90000048  }
0xb6: {  	_ =	sfence  }
0xb7: {  	s30 =	sld [smem:$0x0];
	_ =	sdelay $0x2  }
0xb8: {  	s31 =	sshll.u32 s1, $0xD;
	s1 =	sshrl.u32 s1, $0x2  }
0xb9: {  	s3 =	sand.u32 $0x4000, s31;
	s1 =	sadd.s32 s1, s30  }
0xba: {  	s0 =	sor.u32 s3, s0;
	s1 =	sshll.u32 s1, $0x11  }
0xbb: {  	s0 =	sor.u32 s1, s0  }
0xbc: {  	s0 =	sadd.s32 $0x8F2B, s0  }
0xbd: {  	[sflag:s0] =	ssyncadd.remote.s32 $0x1  }
0xbe: {  	_ =	sfence.sel $0xFFFF  }
0xbf: {  	[dreg:$0x0] =	wrdreg $0xFFFFFFFF;
	(pc) =	sbr.abs _section_cstart, $3  }
0xc0: {  	[dreg:$0x1] =	wrdreg $0xFFFFFFFF  }
0xc1: {  	_ =	task.clear_ibuf [dreg:s6], $0x2FFFF;
	_ =	strace $0x9FFFFFFF  }
0xc2: {  	(tm) =	ssettm $0x7FFFFFFF  }
0xc3: {  	_ =	shalt  }
tec
execute0_lowered:
.L_overlay_start_1:
0x0: {  	(tag) =	ssettag $0x1  }
0x1: {  	s0 =	srdreg.scid;
	s7 =	rddreg [dreg:$0x0]  }
0x2: {  	s2 =	rddreg [dreg:$0x1];
	s3 =	simm.s32 $0x0;
	s15 =	simm.s32 $0x50  }
0x3: {  	s16 =	simm.s32 $0x4E20;
	s17 =	simm.s32 $0x5320;
	s18 =	simm.s32 $0x5820  }
0x4: {  	s19 =	simm.s32 $0x0;
	s6 =	sand.u32 $0x1, s0;
	s0 =	stileid.u32  }
0x5: {  	[smem:$0x7FF] =	sst s3;
	s5 =	sadd.s32 $0x51400, s7;
	s9 =	smul.u32 $0x2800, s0  }
0x6: {  	s1 =	sshll.u32 s6, $0x4;
	s10 =	smul.u32 $0x28000, s6;
	s6 =	ssub.s32 $0x2, s6  }
0x7: {  	s13 =	sshll.u32 s0, $0x6;
	s4 =	sor.u32 s0, s1;
	s1 =	rddreg [dreg:$0x2]  }
0x8: {  	_ =	strace $0x80000047;
	s12 =	sshrl.u32 s6, $0x1;
	s13 =	sor.u32 $0x1C01, s13  }
0x9: {  	s8 =	smul.u32 $0x4E2, s4;
	s4 =	sadd.s32 $0x56400, s7;
	s11 =	sshrl.u32 s9, $0x3  }
0xa: {  	s10 =	sadd.s32 s9, s10;
	s12 =	ssub.s32 s6, s12;
	s14 =	sadd.s32 s9, s2  }
0xb: {  	s11 =	sadd.s32 s11, s7;
	s10 =	sshrl.u32 s10, $0x3;
	s8 =	sadd.s32 s8, s7  }
0xc: {  	s14 =	sshrl.u32 s14, $0x3;
	s10 =	sadd.s32 s10, s7;
	s6 =	sadd.s32 $0x65200, s8  }
0xd: {  	s7 =	sadd.s32 $0x5B400, s8;
	s8 =	sadd.s32 $0x6F000, s11;
	s9 =	sadd.s32 $0x74000, s10  }
0xe: {  	s10 =	smax.u32 s12, $0x1;
	s11 =	simm.s32 $0x1;
	s12 =	simm.s32 $0x2710  }
.LBB2_1:
0xf: {  	[tilespmem:s3], [sflag:$0x1] =	stream.linear.gather [hbm4b:s6+s3], $0x2710, $0x38;
	[tilespmem:$0x8520] =	vst v63  }
0x10: {  	_ =	swait.ge [sflag:s11], $0x2710  }
0x11: {  	[sflag:s11] =	ssyncset.done $0x0  }
0x12: {  	[sflag:s11] =	ssyncadd.s32 $0xFFFFD8F0  }
0x13: {  	[tilespmem:s12], [sflag:$0x1] =	stream.linear.gather [hbm4b:s7+s3], $0x2710, $0x38;
	[tilespmem:$0x8520] =	vst v63  }
0x14: {  	_ =	swait.ge [sflag:s11], $0x2710  }
0x15: {  	[sflag:s11] =	ssyncset.done $0x0  }
0x16: {  	[sflag:s11] =	ssyncadd.s32 $0xFFFFD8F0  }
0x17: {  	[spmem:s14], [sflag:s13] =	dma.local [hbm:s8], $0x500  }
0x18: {  	_ =	swait.ge [sflag:s11], $0x500  }
0x19: {  	[sflag:s11] =	ssyncset.done $0x0  }
0x1a: {  	[sflag:s11] =	ssyncadd.s32 $0xFFFFFB00  }
0x1b: {  	s20 =	simm.s32 $0x0;
	[bflag:$0x0] =	sbarrier.arrive $0xFFFF  }
.LBB2_2:
0x1c: {  	s21 =	smul.u32 $0x50, s20;
	_ =	sdelay $0x1  }
0x1d: {  	[tilespmem:s16], [sflag:$0x1] =	stream.indirect.gather [hbm4b:s4+s15], $0x10, s21, s15, $0xb8;
	[tilespmem:$0x8520] =	vst v63  }
0x1e: {  	_ =	swait.ge [sflag:s11], $0x500  }
0x1f: {  	[sflag:s11] =	ssyncset.done $0x0  }
0x20: {  	s21 =	sadd.s32 $0x2710, s21;
	[sflag:s11] =	ssyncadd.s32 $0xFFFFFB00  }
0x21: {  	[tilespmem:s17], [sflag:$0x1] =	stream.indirect.gather [hbm4b:s5+s15], $0x10, s21, s15, $0xb8;
	[tilespmem:$0x8520] =	vst v63  }
0x22: {  	_ =	swait.ge [sflag:s11], $0x500  }
0x23: {  	[sflag:s11] =	ssyncset.done $0x0  }
0x24: {  	s22 =	simm.s32 $0x0;
	[sflag:s11] =	ssyncadd.s32 $0xFFFFFB00  }
0x25: {  	v0 =	vld [tilespmem:s22+$0x4E20]  }
0x26: {  	s23 =	simm.s32 $0x10;
	v1 =	vld [tilespmem:s22+$0x5320]  }
0x27: {  	v2 =	vld [tilespmem:s23+$0x4E20]  }
0x28: {  	v3 =	vld [tilespmem:s23+$0x5320];
	_ =	sdelay $0x2  }
0x29: {  	v0 =	vadd.f32 v1, v0;
	_ =	sdelay $0x1  }
0x2a: {  	v2 =	vadd.f32 v3, v2;
	v3 =	vmin.f32 v0, $0.0e+00  }
0x2b: {  	v3 =	vmul.f32 $2.000000030e-01, v3  }
0x2c: {  	s24 =	simm.s32 $0x20;
	v0 =	vmax.f32 v0, $0.0e+00  }
0x2d: {  	v4 =	vld [tilespmem:s24+$0x5320];
	v0 =	vadd.f32 v3, v0  }
0x2e: {  	v1 =	vld [tilespmem:s24+$0x4E20];
	v5 =	vmin.f32 v2, $0.0e+00  }
0x2f: {  	v5 =	vmul.f32 $2.000000030e-01, v5;
	v0 =	vmul.f32 $1.442695020e+00, v0  }
0x30: {  	v2 =	vmax.f32 v2, $0.0e+00  }
0x31: {  	v2 =	vadd.f32 v5, v2;
	(erf) = vpow2.f32 v0;
	_ =	sdelay $0x1  }
0x32: {  	s25 =	simm.s32 $0x30;
	v3 =	vadd.f32 v4, v1;
	v4 =	vmul.f32 $1.442695020e+00, v2  }
0x33: {  	v1 =	vld [tilespmem:s25+$0x5320]  }
0x34: {  	v0 =	vld [tilespmem:s25+$0x4E20];
	(erf) = vpow2.f32 v4  }
0x35: {  	v2 =	vmin.f32 v3, $0.0e+00  }
0x36: {  	v2 =	vmul.f32 $2.000000030e-01, v2  }
0x37: {  	s26 =	simm.s32 $0x100;
	v3 =	vmax.f32 v3, $0.0e+00  }
.LBB2_3:
0x38: {  	s28 =	sshra.s32 s26, $0x2;
	v2 =	vadd.f32 v2, v3;
	p0 =	sne.s32 s26, $0x13C0  }
.Ltmp0:
0x39: {  	s26 =	sadd.s32 $0x40, s26;
	v3 =	vadd.f32 v1, v0;
	v0 =	vld [tilespmem:s28+$0x4E20];
	v4 =	vpop (erf);
	(pc) =	sbr.rel @p0 .LBB2_3-.Ltmp0, $4  }
0x3a: {  	v1 =	vld [tilespmem:s28+$0x5320];
	v5 =	vmul.f32 $1.442695020e+00, v2;
	[tilespmem:s22+$0x5820] =	vst v4;
	s22 =	smov.u32 s23;
	s23 =	smov.u32 s24;
	s24 =	smov.u32 s25  }
0x3b: {  	s25 =	smov.u32 s28;
	v2 =	vmin.f32 v3, $0.0e+00  }
0x3c: {  	v2 =	vmul.f32 $2.000000030e-01, v2;
	(erf) = vpow2.f32 v5  }
0x3d: {  	v3 =	vmax.f32 v3, $0.0e+00  }
0x3e: {  	_ = 	snop  }
0x3f: {  	v0 =	vadd.f32 v1, v0;
	_ =	sdelay $0x1  }
0x40: {  	v1 =	vmin.f32 v0, $0.0e+00  }
0x41: {  	v1 =	vmul.f32 $2.000000030e-01, v1  }
0x42: {  	v2 =	vadd.f32 v2, v3;
	v0 =	vmax.f32 v0, $0.0e+00  }
0x43: {  	v0 =	vadd.f32 v1, v0  }
0x44: {  	v59 =	vmul.f32 $1.442695020e+00, v2  }
0x45: {  	v0 =	vmul.f32 $1.442695020e+00, v0  }
0x46: {  	(erf) = vpow2.f32 v59  }
0x47: {  	(erf) = vpow2.f32 v0;
	_ =	sdelay $0x5  }
0x48: {  	v60 =	vpop (erf)  }
0x49: {  	[tilespmem:s22+$0x5820] =	vst v60;
	v61 =	vpop (erf)  }
0x4a: {  	s20 =	sadd.s32 $0x1, s20;
	[tilespmem:s23+$0x5820] =	vst v61;
	v62 =	vpop (erf)  }
0x4b: {  	p0 =	sne.s32 s20, $0x7D;
	[tilespmem:s24+$0x5820] =	vst v62;
	v63 =	vpop (erf)  }
.Ltmp1:
0x4c: {  	[tilespmem:s25+$0x5820] =	vst v63;
	(pc) =	sbr.rel @p0 .LBB2_2-.Ltmp1, $4  }
0x4d: {  	[spmem:s2] =	stream.indirect.scatter.add.f32 [tilespmem:s18], [sflag:$0x1], $0x10, s21, s15, $0xb8;
	[tilespmem:$0x8520] =	vst v63  }
0x4e: {  	_ =	swait.ge [sflag:s11], $0x500  }
0x4f: {  	[sflag:s11] =	ssyncset.done $0x0  }
0x50: {  	[sflag:s11] =	ssyncadd.s32 $0xFFFFFB00  }
0x51: {  	s19 =	sadd.s32 $0x1, s19  }
0x52: {  	p0 =	sne.s32 s19, s10  }
.Ltmp2:
0x53: {  	[bflag:$0x0] =	sbarrier.arrive $0xFFFF;
	(pc) =	sbr.rel @p0 .LBB2_1-.Ltmp2, $4  }
0x54: {  	[hbm:s9], [sflag:s13] =	dma.local [spmem:s14], $0x500  }
0x55: {  	_ =	swait.ge [sflag:s11], $0x500  }
0x56: {  	[sflag:s11] =	ssyncset.done $0x0  }
0x57: {  	[sflag:s11] =	ssyncadd.s32 $0xFFFFFB00  }
0x58: {  	_ =	sfence.sel $0x180000  }
0x59: {  	[bflag:$0x0] =	sbarrier.arrive $0xFFFF  }
0x5a: {  	p0 =	sne.s32 s0, $0x0;
	_ =	strace $0x90000047  }
0x5b: {  	s0 =	sadd.s32 @!p0 $0x100000, s1;
	[bflag:$0x2] =	sbarrier.arrive $0xFFFF  }
0x5c: {  	[sflag:s0] =	ssyncadd.tile.s32 @!p0 $0x1;
	_ =	shalt  }
.Lfunc_end2:
_tile_overlayer_lowered:
.L_overlay_start_2:
0x5d: {  	(tag) =	ssettag $0x2  }
0x5e: {  	s0 =	rddreg [dreg:$0x0];
	s2 =	stileid.u32  }
0x5f: {  	s1 =	rddreg [dreg:$0x1];
	p0 =	sne.s32 s2, $0x0  }
0x60: {  	s3 =	rddreg [dreg:$0x2];
	[bflag:$0x3] =	sbarrier.arrive $0xFFFF;
	s2 =	simm.s32 @!p0 $0x1C01  }
0x61: {  	[timem:s3], [sflag:s2] =	dma.local @!p0 [hbm:s0], s1  }
0x62: {  	s0 =	simm.s32 @!p0 $0x1  }
0x63: {  	_ =	swait.ge @!p0 [sflag:s0], s1  }
0x64: {  	s1 =	ssub.s32 @!p0 $0x0, s1;
	[sflag:s0] =	ssyncset.done @!p0 $0x0  }
0x65: {  	[sflag:s0] =	ssyncadd.s32 @!p0 s1  }
0x66: {  	[bflag:$0x3] =	sbarrier.arrive $0xFFFF  }
0x67: {  	_ =	shalt  }

</sc_bundles>
